<compile_context>
chip_gen: v7x
topology: tpu7x:2x2x1
jax: 0.10.2.dev20260603
libtpu: 0.0.44.dev20260713+nightly
codegen_flags: <defaults>
</compile_context>

<pallas_src>
import jax
import jax.numpy as jnp
from jax import lax
from jax.experimental import pallas as pl
from jax.experimental.pallas import tpu as pltpu
from jax.experimental.pallas import tpu_sc as plsc

D = 128
B = 16384
NC = 2
NS = 16
L = 16
NW = NC * NS
B_PER_W = B // NW
CHUNK = 128
NCHUNK = B_PER_W // CHUNK
RB = 3


def _body(w_hbm, o_hbm, i_hbm, res_hbm, idx_v, rows_v, out_v,
          semg, semo, semw):
    wid = lax.axis_index("s") * NC + lax.axis_index("c")
    base = wid * B_PER_W

    pltpu.sync_copy(i_hbm.at[pl.ds(base, B_PER_W)], idx_v)

    gathers, outs = [], []
    for j in range(RB):
        gathers.append(
            pltpu.async_copy(
                w_hbm.at[idx_v.at[pl.ds(j * CHUNK, CHUNK)]],
                rows_v.at[j], semg.at[j]))
    for j in range(NCHUNK):
        outs.append(
            pltpu.async_copy(o_hbm.at[pl.ds(base + j * CHUNK, CHUNK)],
                             out_v.at[j], semo.at[j]))
    writes = []
    for j in range(NCHUNK):
        gathers[j].wait()
        outs[j].wait()

        halves = 2 if j == NCHUNK - 1 else 1
        step = CHUNK // halves
        for h in range(halves):

            @plsc.parallel_loop(h * step, (h + 1) * step, unroll=1)
            def mul_row(r):
                for c in range(D // L):
                    s = pl.ds(c * L, L)
                    out_v[j, r, s] = rows_v[j % RB, r, s] * out_v[j, r, s]

            writes.append(
                pltpu.async_copy(
                    out_v.at[j, pl.ds(h * step, step)],
                    res_hbm.at[pl.ds(base + j * CHUNK + h * step, step)],
                    semw))
        if j + RB < NCHUNK:
            gathers.append(
                pltpu.async_copy(
                    w_hbm.at[idx_v.at[pl.ds((j + RB) * CHUNK, CHUNK)]],
                    rows_v.at[(j + RB) % RB], semg.at[(j + RB) % RB]))
    for w in writes:
        w.wait()


def kernel(out, taget_adj, weight):
    idx = taget_adj.astype(jnp.int32)
    mesh = plsc.VectorSubcoreMesh(core_axis_name="c", subcore_axis_name="s")
    k = pl.kernel(
        _body,
        mesh=mesh,
        out_type=jax.ShapeDtypeStruct((B, D), jnp.float32),
        scratch_types=[
            pltpu.VMEM((B_PER_W,), jnp.int32),
            pltpu.VMEM((RB, CHUNK, D), jnp.float32),
            pltpu.VMEM((NCHUNK, CHUNK, D), jnp.float32),
            pltpu.SemaphoreType.DMA((RB,)),
            pltpu.SemaphoreType.DMA((NCHUNK,)),
            pltpu.SemaphoreType.DMA,
        ],
    )
    return k(weight, out, idx)

# --- scband reference (transcript-rebuilt; emitter-appended) ---
"""Pipeline reference for scband-dist-mult-pred-87866440941646 (READ-ONLY COPY).

The authoritative reference and input builder live on the scoring server;
editing this copy changes nothing except your own understanding.
"""

import jax, jax.numpy as jnp
import numpy as np

ADJ_NUM = 100000
INPUT_FEATURE = 128
BATCH = 16384

def setup_inputs(seed: int = 0) -> dict:
    key = jax.random.key(seed)
    k1, k2, k3 = jax.random.split(key, 3)
    out = jax.random.normal(k1, (BATCH, INPUT_FEATURE), dtype=jnp.float32)
    taget_adj = jax.random.randint(k2, (BATCH,), 0, ADJ_NUM, dtype=jnp.int64 if jax.config.jax_enable_x64 else jnp.int32)
    weight = jax.random.normal(k3, (ADJ_NUM, INPUT_FEATURE), dtype=jnp.float32)
    return {"out": out, "taget_adj": taget_adj, "weight": weight}

def reference(out, taget_adj, weight):
    # weight[taget_adj] * out  (gather rows from relation table, elementwise multiply)
    gathered = jnp.take(weight, taget_adj, axis=0)
    return gathered * out

if __name__ == "__main__":
    import jax
    _d = setup_inputs()
    print(jax.jit(kernel)(*tuple(_d.values())))

</pallas_src>

<mosaic_0001>
#map = affine_map<(d0, d1) -> (0, 0)>
#map1 = affine_map<(d0, d1) -> (0)>
module attributes {stable_mosaic.version = 14 : i64} {
  func.func @_body(%arg0: i32, %arg1: i32, %arg2: memref<100000x128xf32, #tpu.memory_space<hbm>>, %arg3: memref<16384x128xf32, #tpu.memory_space<hbm>>, %arg4: memref<16384xi32, #tpu.memory_space<hbm>>, %arg5: memref<16384x128xf32, #tpu.memory_space<hbm>>, %arg6: memref<512xi32, #tpu.memory_space<vmem>>, %arg7: memref<3x128x128xf32, #tpu.memory_space<vmem>>, %arg8: memref<4x128x128xf32, #tpu.memory_space<vmem>>, %arg9: memref<3x!tpu.dma_semaphore, #tpu.memory_space<semaphore_mem>>, %arg10: memref<4x!tpu.dma_semaphore, #tpu.memory_space<semaphore_mem>>, %arg11: memref<!tpu.dma_semaphore, #tpu.memory_space<semaphore_mem>>) attributes {dimension_semantics = [#tpu.dimension_semantics<core_parallel>, #tpu.dimension_semantics<subcore_parallel>], iteration_bounds = array<i64: 2, 16>, scalar_prefetch = 0 : i64, scratch_operands = 6 : i64, tpu.core_type = #tpu.core_type<sc_vector_subcore>, window_params = [{transform_indices = #map}, {transform_indices = #map}, {transform_indices = #map1}, {transform_indices = #map}]} {
    %mul3A = arith.constant 2 : i32
    %mul3A_0 = arith.muli %arg1, %mul3A : i32
    %add3A = arith.addi %mul3A_0, %arg0 : i32
    %mul3A_1 = arith.constant 512 : i32
    %mul3A_2 = arith.muli %add3A, %mul3A_1 : i32
    "tpu.region"() ({
      %run_scoped3A = tpu.sem_alloc : memref<!tpu.dma_semaphore, #tpu.memory_space<semaphore_mem>>
      %dma_start3A_405 = tpu.memref_slice %arg4[%mul3A_2] : memref<16384xi32, #tpu.memory_space<hbm>> -> memref<512xi32, #tpu.memory_space<hbm>>
      %dma_start3A_406 = tpu.memref_slice %arg4[%mul3A_2] : memref<16384xi32, #tpu.memory_space<hbm>> -> memref<512xi32, #tpu.memory_space<hbm>>
      tpu.enqueue_dma source(%dma_start3A_406 : memref<512xi32, #tpu.memory_space<hbm>>) target(%arg6 : memref<512xi32, #tpu.memory_space<vmem>>) target_semaphore(%run_scoped3A : memref<!tpu.dma_semaphore, #tpu.memory_space<semaphore_mem>>)
      %dma_wait3A_407 = tpu.memref_slice %arg4[%mul3A_2] : memref<16384xi32, #tpu.memory_space<hbm>> -> memref<512xi32, #tpu.memory_space<hbm>>
      %dma_wait3A_408 = tpu.memref_slice %arg4[%mul3A_2] : memref<16384xi32, #tpu.memory_space<hbm>> -> memref<512xi32, #tpu.memory_space<hbm>>
      tpu.wait_dma2 semaphore(%run_scoped3A : memref<!tpu.dma_semaphore, #tpu.memory_space<semaphore_mem>>) src(%dma_wait3A_408 : memref<512xi32, #tpu.memory_space<hbm>>) dst(%arg6 : memref<512xi32, #tpu.memory_space<vmem>>)
      tpu.yield
    }) : () -> ()
    %dma_start3A = arith.constant 0 : i32
    %dma_start3A_3 = arith.constant 0 : i32
    %dma_start3A_4 = arith.constant 0 : i32
    %dma_start3A_5 = arith.constant 0 : i32
    %dma_start3A_6 = tpu.memref_slice %arg7[%dma_start3A, %dma_start3A_4, %dma_start3A_5] : memref<3x128x128xf32, #tpu.memory_space<vmem>> -> memref<1x128x128xf32, #tpu.memory_space<vmem>>
    %dma_start3A_7 = tpu.memref_squeeze %dma_start3A_6 : memref<1x128x128xf32, #tpu.memory_space<vmem>> -> memref<128x128xf32, #tpu.memory_space<vmem>>
    %dma_start3A_8 = arith.constant 0 : i32
    %dma_start3A_9 = tpu.memref_slice %arg6[%dma_start3A_8] : memref<512xi32, #tpu.memory_space<vmem>> -> memref<128xi32, #tpu.memory_space<vmem>>
    %dma_start3A_10 = arith.constant 0 : i32
    %dma_start3A_11 = arith.constant 0 : i32
    %dma_start3A_12 = tpu.memref_slice %arg2[%dma_start3A_10, %dma_start3A_11] : memref<100000x128xf32, #tpu.memory_space<hbm>> -> memref<100000x128xf32, #tpu.memory_space<hbm>>
    %dma_start3A_13 = tpu.memref_slice %arg9[%dma_start3A_3] : memref<3x!tpu.dma_semaphore, #tpu.memory_space<semaphore_mem>> -> memref<1x!tpu.dma_semaphore, #tpu.memory_space<semaphore_mem>>
    %dma_start3A_14 = tpu.memref_squeeze %dma_start3A_13 : memref<1x!tpu.dma_semaphore, #tpu.memory_space<semaphore_mem>> -> memref<!tpu.dma_semaphore, #tpu.memory_space<semaphore_mem>>
    tpu.enqueue_indirect_dma source(%dma_start3A_12 : memref<100000x128xf32, #tpu.memory_space<hbm>>) target(%dma_start3A_7 : memref<128x128xf32, #tpu.memory_space<vmem>>) offsets(%dma_start3A_9 : memref<128xi32, #tpu.memory_space<vmem>>) semaphore(%dma_start3A_14 : memref<!tpu.dma_semaphore, #tpu.memory_space<semaphore_mem>>)
    %dma_start3A_15 = arith.constant 1 : i32
    %dma_start3A_16 = arith.constant 1 : i32
    %dma_start3A_17 = arith.constant 0 : i32
    %dma_start3A_18 = arith.constant 0 : i32
    %dma_start3A_19 = tpu.memref_slice %arg7[%dma_start3A_15, %dma_start3A_17, %dma_start3A_18] : memref<3x128x128xf32, #tpu.memory_space<vmem>> -> memref<1x128x128xf32, #tpu.memory_space<vmem>>
    %dma_start3A_20 = tpu.memref_squeeze %dma_start3A_19 : memref<1x128x128xf32, #tpu.memory_space<vmem>> -> memref<128x128xf32, #tpu.memory_space<vmem>>
    %dma_start3A_21 = arith.constant 128 : i32
    %dma_start3A_22 = tpu.memref_slice %arg6[%dma_start3A_21] : memref<512xi32, #tpu.memory_space<vmem>> -> memref<128xi32, #tpu.memory_space<vmem>>
    %dma_start3A_23 = arith.constant 0 : i32
    %dma_start3A_24 = arith.constant 0 : i32
    %dma_start3A_25 = tpu.memref_slice %arg2[%dma_start3A_23, %dma_start3A_24] : memref<100000x128xf32, #tpu.memory_space<hbm>> -> memref<100000x128xf32, #tpu.memory_space<hbm>>
    %dma_start3A_26 = tpu.memref_slice %arg9[%dma_start3A_16] : memref<3x!tpu.dma_semaphore, #tpu.memory_space<semaphore_mem>> -> memref<1x!tpu.dma_semaphore, #tpu.memory_space<semaphore_mem>>
    %dma_start3A_27 = tpu.memref_squeeze %dma_start3A_26 : memref<1x!tpu.dma_semaphore, #tpu.memory_space<semaphore_mem>> -> memref<!tpu.dma_semaphore, #tpu.memory_space<semaphore_mem>>
    tpu.enqueue_indirect_dma source(%dma_start3A_25 : memref<100000x128xf32, #tpu.memory_space<hbm>>) target(%dma_start3A_20 : memref<128x128xf32, #tpu.memory_space<vmem>>) offsets(%dma_start3A_22 : memref<128xi32, #tpu.memory_space<vmem>>) semaphore(%dma_start3A_27 : memref<!tpu.dma_semaphore, #tpu.memory_space<semaphore_mem>>)
    %dma_start3A_28 = arith.constant 2 : i32
    %dma_start3A_29 = arith.constant 2 : i32
    %dma_start3A_30 = arith.constant 0 : i32
    %dma_start3A_31 = arith.constant 0 : i32
    %dma_start3A_32 = tpu.memref_slice %arg7[%dma_start3A_28, %dma_start3A_30, %dma_start3A_31] : memref<3x128x128xf32, #tpu.memory_space<vmem>> -> memref<1x128x128xf32, #tpu.memory_space<vmem>>
    %dma_start3A_33 = tpu.memref_squeeze %dma_start3A_32 : memref<1x128x128xf32, #tpu.memory_space<vmem>> -> memref<128x128xf32, #tpu.memory_space<vmem>>
    %dma_start3A_34 = arith.constant 256 : i32
    %dma_start3A_35 = tpu.memref_slice %arg6[%dma_start3A_34] : memref<512xi32, #tpu.memory_space<vmem>> -> memref<128xi32, #tpu.memory_space<vmem>>
    %dma_start3A_36 = arith.constant 0 : i32
    %dma_start3A_37 = arith.constant 0 : i32
    %dma_start3A_38 = tpu.memref_slice %arg2[%dma_start3A_36, %dma_start3A_37] : memref<100000x128xf32, #tpu.memory_space<hbm>> -> memref<100000x128xf32, #tpu.memory_space<hbm>>
    %dma_start3A_39 = tpu.memref_slice %arg9[%dma_start3A_29] : memref<3x!tpu.dma_semaphore, #tpu.memory_space<semaphore_mem>> -> memref<1x!tpu.dma_semaphore, #tpu.memory_space<semaphore_mem>>
    %dma_start3A_40 = tpu.memref_squeeze %dma_start3A_39 : memref<1x!tpu.dma_semaphore, #tpu.memory_space<semaphore_mem>> -> memref<!tpu.dma_semaphore, #tpu.memory_space<semaphore_mem>>
    tpu.enqueue_indirect_dma source(%dma_start3A_38 : memref<100000x128xf32, #tpu.memory_space<hbm>>) target(%dma_start3A_33 : memref<128x128xf32, #tpu.memory_space<vmem>>) offsets(%dma_start3A_35 : memref<128xi32, #tpu.memory_space<vmem>>) semaphore(%dma_start3A_40 : memref<!tpu.dma_semaphore, #tpu.memory_space<semaphore_mem>>)
    %add3A_41 = arith.constant 0 : i32
    %add3A_42 = arith.addi %mul3A_2, %add3A_41 : i32
    %dma_start3A_43 = arith.constant 0 : i32
    %dma_start3A_44 = arith.constant 0 : i32
    %dma_start3A_45 = arith.constant 0 : i32
    %dma_start3A_46 = arith.constant 0 : i32
    %dma_start3A_47 = tpu.memref_slice %arg8[%dma_start3A_43, %dma_start3A_45, %dma_start3A_46] : memref<4x128x128xf32, #tpu.memory_space<vmem>> -> memref<1x128x128xf32, #tpu.memory_space<vmem>>
    %dma_start3A_48 = tpu.memref_squeeze %dma_start3A_47 : memref<1x128x128xf32, #tpu.memory_space<vmem>> -> memref<128x128xf32, #tpu.memory_space<vmem>>
    %dma_start3A_49 = arith.constant 0 : i32
    %dma_start3A_50 = tpu.memref_slice %arg3[%add3A_42, %dma_start3A_49] : memref<16384x128xf32, #tpu.memory_space<hbm>> -> memref<128x128xf32, #tpu.memory_space<hbm>>
    %dma_start3A_51 = tpu.memref_slice %arg10[%dma_start3A_44] : memref<4x!tpu.dma_semaphore, #tpu.memory_space<semaphore_mem>> -> memref<1x!tpu.dma_semaphore, #tpu.memory_space<semaphore_mem>>
    %dma_start3A_52 = tpu.memref_squeeze %dma_start3A_51 : memref<1x!tpu.dma_semaphore, #tpu.memory_space<semaphore_mem>> -> memref<!tpu.dma_semaphore, #tpu.memory_space<semaphore_mem>>
    %dma_start3A_53 = arith.constant 0 : i32
    %dma_start3A_54 = arith.constant 0 : i32
    %dma_start3A_55 = tpu.memref_slice %arg8[%dma_start3A_43, %dma_start3A_53, %dma_start3A_54] : memref<4x128x128xf32, #tpu.memory_space<vmem>> -> memref<1x128x128xf32, #tpu.memory_space<vmem>>
    %dma_start3A_56 = tpu.memref_squeeze %dma_start3A_55 : memref<1x128x128xf32, #tpu.memory_space<vmem>> -> memref<128x128xf32, #tpu.memory_space<vmem>>
    %dma_start3A_57 = arith.constant 0 : i32
    %dma_start3A_58 = tpu.memref_slice %arg3[%add3A_42, %dma_start3A_57] : memref<16384x128xf32, #tpu.memory_space<hbm>> -> memref<128x128xf32, #tpu.memory_space<hbm>>
    tpu.enqueue_dma source(%dma_start3A_58 : memref<128x128xf32, #tpu.memory_space<hbm>>) target(%dma_start3A_56 : memref<128x128xf32, #tpu.memory_space<vmem>>) target_semaphore(%dma_start3A_52 : memref<!tpu.dma_semaphore, #tpu.memory_space<semaphore_mem>>)
    %add3A_59 = arith.constant 128 : i32
    %add3A_60 = arith.addi %mul3A_2, %add3A_59 : i32
    %dma_start3A_61 = arith.constant 1 : i32
    %dma_start3A_62 = arith.constant 1 : i32
    %dma_start3A_63 = arith.constant 0 : i32
    %dma_start3A_64 = arith.constant 0 : i32
    %dma_start3A_65 = tpu.memref_slice %arg8[%dma_start3A_61, %dma_start3A_63, %dma_start3A_64] : memref<4x128x128xf32, #tpu.memory_space<vmem>> -> memref<1x128x128xf32, #tpu.memory_space<vmem>>
    %dma_start3A_66 = tpu.memref_squeeze %dma_start3A_65 : memref<1x128x128xf32, #tpu.memory_space<vmem>> -> memref<128x128xf32, #tpu.memory_space<vmem>>
    %dma_start3A_67 = arith.constant 0 : i32
    %dma_start3A_68 = tpu.memref_slice %arg3[%add3A_60, %dma_start3A_67] : memref<16384x128xf32, #tpu.memory_space<hbm>> -> memref<128x128xf32, #tpu.memory_space<hbm>>
    %dma_start3A_69 = tpu.memref_slice %arg10[%dma_start3A_62] : memref<4x!tpu.dma_semaphore, #tpu.memory_space<semaphore_mem>> -> memref<1x!tpu.dma_semaphore, #tpu.memory_space<semaphore_mem>>
    %dma_start3A_70 = tpu.memref_squeeze %dma_start3A_69 : memref<1x!tpu.dma_semaphore, #tpu.memory_space<semaphore_mem>> -> memref<!tpu.dma_semaphore, #tpu.memory_space<semaphore_mem>>
    %dma_start3A_71 = arith.constant 0 : i32
    %dma_start3A_72 = arith.constant 0 : i32
    %dma_start3A_73 = tpu.memref_slice %arg8[%dma_start3A_61, %dma_start3A_71, %dma_start3A_72] : memref<4x128x128xf32, #tpu.memory_space<vmem>> -> memref<1x128x128xf32, #tpu.memory_space<vmem>>
    %dma_start3A_74 = tpu.memref_squeeze %dma_start3A_73 : memref<1x128x128xf32, #tpu.memory_space<vmem>> -> memref<128x128xf32, #tpu.memory_space<vmem>>
    %dma_start3A_75 = arith.constant 0 : i32
    %dma_start3A_76 = tpu.memref_slice %arg3[%add3A_60, %dma_start3A_75] : memref<16384x128xf32, #tpu.memory_space<hbm>> -> memref<128x128xf32, #tpu.memory_space<hbm>>
    tpu.enqueue_dma source(%dma_start3A_76 : memref<128x128xf32, #tpu.memory_space<hbm>>) target(%dma_start3A_74 : memref<128x128xf32, #tpu.memory_space<vmem>>) target_semaphore(%dma_start3A_70 : memref<!tpu.dma_semaphore, #tpu.memory_space<semaphore_mem>>)
    %add3A_77 = arith.constant 256 : i32
    %add3A_78 = arith.addi %mul3A_2, %add3A_77 : i32
    %dma_start3A_79 = arith.constant 2 : i32
    %dma_start3A_80 = arith.constant 2 : i32
    %dma_start3A_81 = arith.constant 0 : i32
    %dma_start3A_82 = arith.constant 0 : i32
    %dma_start3A_83 = tpu.memref_slice %arg8[%dma_start3A_79, %dma_start3A_81, %dma_start3A_82] : memref<4x128x128xf32, #tpu.memory_space<vmem>> -> memref<1x128x128xf32, #tpu.memory_space<vmem>>
    %dma_start3A_84 = tpu.memref_squeeze %dma_start3A_83 : memref<1x128x128xf32, #tpu.memory_space<vmem>> -> memref<128x128xf32, #tpu.memory_space<vmem>>
    %dma_start3A_85 = arith.constant 0 : i32
    %dma_start3A_86 = tpu.memref_slice %arg3[%add3A_78, %dma_start3A_85] : memref<16384x128xf32, #tpu.memory_space<hbm>> -> memref<128x128xf32, #tpu.memory_space<hbm>>
    %dma_start3A_87 = tpu.memref_slice %arg10[%dma_start3A_80] : memref<4x!tpu.dma_semaphore, #tpu.memory_space<semaphore_mem>> -> memref<1x!tpu.dma_semaphore, #tpu.memory_space<semaphore_mem>>
    %dma_start3A_88 = tpu.memref_squeeze %dma_start3A_87 : memref<1x!tpu.dma_semaphore, #tpu.memory_space<semaphore_mem>> -> memref<!tpu.dma_semaphore, #tpu.memory_space<semaphore_mem>>
    %dma_start3A_89 = arith.constant 0 : i32
    %dma_start3A_90 = arith.constant 0 : i32
    %dma_start3A_91 = tpu.memref_slice %arg8[%dma_start3A_79, %dma_start3A_89, %dma_start3A_90] : memref<4x128x128xf32, #tpu.memory_space<vmem>> -> memref<1x128x128xf32, #tpu.memory_space<vmem>>
    %dma_start3A_92 = tpu.memref_squeeze %dma_start3A_91 : memref<1x128x128xf32, #tpu.memory_space<vmem>> -> memref<128x128xf32, #tpu.memory_space<vmem>>
    %dma_start3A_93 = arith.constant 0 : i32
    %dma_start3A_94 = tpu.memref_slice %arg3[%add3A_78, %dma_start3A_93] : memref<16384x128xf32, #tpu.memory_space<hbm>> -> memref<128x128xf32, #tpu.memory_space<hbm>>
    tpu.enqueue_dma source(%dma_start3A_94 : memref<128x128xf32, #tpu.memory_space<hbm>>) target(%dma_start3A_92 : memref<128x128xf32, #tpu.memory_space<vmem>>) target_semaphore(%dma_start3A_88 : memref<!tpu.dma_semaphore, #tpu.memory_space<semaphore_mem>>)
    %add3A_95 = arith.constant 384 : i32
    %add3A_96 = arith.addi %mul3A_2, %add3A_95 : i32
    %dma_start3A_97 = arith.constant 3 : i32
    %dma_start3A_98 = arith.constant 3 : i32
    %dma_start3A_99 = arith.constant 0 : i32
    %dma_start3A_100 = arith.constant 0 : i32
    %dma_start3A_101 = tpu.memref_slice %arg8[%dma_start3A_97, %dma_start3A_99, %dma_start3A_100] : memref<4x128x128xf32, #tpu.memory_space<vmem>> -> memref<1x128x128xf32, #tpu.memory_space<vmem>>
    %dma_start3A_102 = tpu.memref_squeeze %dma_start3A_101 : memref<1x128x128xf32, #tpu.memory_space<vmem>> -> memref<128x128xf32, #tpu.memory_space<vmem>>
    %dma_start3A_103 = arith.constant 0 : i32
    %dma_start3A_104 = tpu.memref_slice %arg3[%add3A_96, %dma_start3A_103] : memref<16384x128xf32, #tpu.memory_space<hbm>> -> memref<128x128xf32, #tpu.memory_space<hbm>>
    %dma_start3A_105 = tpu.memref_slice %arg10[%dma_start3A_98] : memref<4x!tpu.dma_semaphore, #tpu.memory_space<semaphore_mem>> -> memref<1x!tpu.dma_semaphore, #tpu.memory_space<semaphore_mem>>
    %dma_start3A_106 = tpu.memref_squeeze %dma_start3A_105 : memref<1x!tpu.dma_semaphore, #tpu.memory_space<semaphore_mem>> -> memref<!tpu.dma_semaphore, #tpu.memory_space<semaphore_mem>>
    %dma_start3A_107 = arith.constant 0 : i32
    %dma_start3A_108 = arith.constant 0 : i32
    %dma_start3A_109 = tpu.memref_slice %arg8[%dma_start3A_97, %dma_start3A_107, %dma_start3A_108] : memref<4x128x128xf32, #tpu.memory_space<vmem>> -> memref<1x128x128xf32, #tpu.memory_space<vmem>>
    %dma_start3A_110 = tpu.memref_squeeze %dma_start3A_109 : memref<1x128x128xf32, #tpu.memory_space<vmem>> -> memref<128x128xf32, #tpu.memory_space<vmem>>
    %dma_start3A_111 = arith.constant 0 : i32
    %dma_start3A_112 = tpu.memref_slice %arg3[%add3A_96, %dma_start3A_111] : memref<16384x128xf32, #tpu.memory_space<hbm>> -> memref<128x128xf32, #tpu.memory_space<hbm>>
    tpu.enqueue_dma source(%dma_start3A_112 : memref<128x128xf32, #tpu.memory_space<hbm>>) target(%dma_start3A_110 : memref<128x128xf32, #tpu.memory_space<vmem>>) target_semaphore(%dma_start3A_106 : memref<!tpu.dma_semaphore, #tpu.memory_space<semaphore_mem>>)
    %dma_wait3A = arith.constant 0 : i32
    %dma_wait3A_113 = arith.constant 0 : i32
    %dma_wait3A_114 = arith.constant 0 : i32
    %dma_wait3A_115 = arith.constant 0 : i32
    %dma_wait3A_116 = tpu.memref_slice %arg7[%dma_wait3A, %dma_wait3A_114, %dma_wait3A_115] : memref<3x128x128xf32, #tpu.memory_space<vmem>> -> memref<1x128x128xf32, #tpu.memory_space<vmem>>
    %dma_wait3A_117 = tpu.memref_squeeze %dma_wait3A_116 : memref<1x128x128xf32, #tpu.memory_space<vmem>> -> memref<128x128xf32, #tpu.memory_space<vmem>>
    %dma_wait3A_118 = arith.constant 0 : i32
    %dma_wait3A_119 = tpu.memref_slice %arg6[%dma_wait3A_118] : memref<512xi32, #tpu.memory_space<vmem>> -> memref<128xi32, #tpu.memory_space<vmem>>
    %dma_wait3A_120 = arith.constant 0 : i32
    %dma_wait3A_121 = arith.constant 0 : i32
    %dma_wait3A_122 = tpu.memref_slice %arg2[%dma_wait3A_120, %dma_wait3A_121] : memref<100000x128xf32, #tpu.memory_space<hbm>> -> memref<100000x128xf32, #tpu.memory_space<hbm>>
    %dma_wait3A_123 = tpu.memref_slice %arg9[%dma_wait3A_113] : memref<3x!tpu.dma_semaphore, #tpu.memory_space<semaphore_mem>> -> memref<1x!tpu.dma_semaphore, #tpu.memory_space<semaphore_mem>>
    %dma_wait3A_124 = tpu.memref_squeeze %dma_wait3A_123 : memref<1x!tpu.dma_semaphore, #tpu.memory_space<semaphore_mem>> -> memref<!tpu.dma_semaphore, #tpu.memory_space<semaphore_mem>>
    tpu.wait_indirect_dma semaphore(%dma_wait3A_124 : memref<!tpu.dma_semaphore, #tpu.memory_space<semaphore_mem>>) src(%dma_wait3A_122 : memref<100000x128xf32, #tpu.memory_space<hbm>>) dst(%dma_wait3A_117 : memref<128x128xf32, #tpu.memory_space<vmem>>)
    %dma_wait3A_125 = arith.constant 0 : i32
    %dma_wait3A_126 = arith.constant 0 : i32
    %dma_wait3A_127 = arith.constant 0 : i32
    %dma_wait3A_128 = arith.constant 0 : i32
    %dma_wait3A_129 = tpu.memref_slice %arg8[%dma_wait3A_125, %dma_wait3A_127, %dma_wait3A_128] : memref<4x128x128xf32, #tpu.memory_space<vmem>> -> memref<1x128x128xf32, #tpu.memory_space<vmem>>
    %dma_wait3A_130 = tpu.memref_squeeze %dma_wait3A_129 : memref<1x128x128xf32, #tpu.memory_space<vmem>> -> memref<128x128xf32, #tpu.memory_space<vmem>>
    %dma_wait3A_131 = arith.constant 0 : i32
    %dma_wait3A_132 = tpu.memref_slice %arg3[%add3A_42, %dma_wait3A_131] : memref<16384x128xf32, #tpu.memory_space<hbm>> -> memref<128x128xf32, #tpu.memory_space<hbm>>
    %dma_wait3A_133 = tpu.memref_slice %arg10[%dma_wait3A_126] : memref<4x!tpu.dma_semaphore, #tpu.memory_space<semaphore_mem>> -> memref<1x!tpu.dma_semaphore, #tpu.memory_space<semaphore_mem>>
    %dma_wait3A_134 = tpu.memref_squeeze %dma_wait3A_133 : memref<1x!tpu.dma_semaphore, #tpu.memory_space<semaphore_mem>> -> memref<!tpu.dma_semaphore, #tpu.memory_space<semaphore_mem>>
    %dma_wait3A_135 = arith.constant 0 : i32
    %dma_wait3A_136 = arith.constant 0 : i32
    %dma_wait3A_137 = tpu.memref_slice %arg8[%dma_wait3A_125, %dma_wait3A_135, %dma_wait3A_136] : memref<4x128x128xf32, #tpu.memory_space<vmem>> -> memref<1x128x128xf32, #tpu.memory_space<vmem>>
    %dma_wait3A_138 = tpu.memref_squeeze %dma_wait3A_137 : memref<1x128x128xf32, #tpu.memory_space<vmem>> -> memref<128x128xf32, #tpu.memory_space<vmem>>
    %dma_wait3A_139 = arith.constant 0 : i32
    %dma_wait3A_140 = tpu.memref_slice %arg3[%add3A_42, %dma_wait3A_139] : memref<16384x128xf32, #tpu.memory_space<hbm>> -> memref<128x128xf32, #tpu.memory_space<hbm>>
    tpu.wait_dma2 semaphore(%dma_wait3A_134 : memref<!tpu.dma_semaphore, #tpu.memory_space<semaphore_mem>>) src(%dma_wait3A_140 : memref<128x128xf32, #tpu.memory_space<hbm>>) dst(%dma_wait3A_138 : memref<128x128xf32, #tpu.memory_space<vmem>>)
    %parallel_loop3A = arith.constant 0 : i32
    %parallel_loop3A_141 = arith.constant 128 : i32
    %parallel_loop3A_142 = arith.constant 1 : i32
    scf.for %parallel_loop3A_405 = %parallel_loop3A to %parallel_loop3A_141 step %parallel_loop3A_142  : i32 {
      %parallel_loop3A_406 = arith.constant 0 : i32
      %parallel_loop3A_407 = arith.index_cast %parallel_loop3A_406 : i32 to index
      %parallel_loop3A_408 = arith.index_cast %parallel_loop3A_405 : i32 to index
      %parallel_loop3A_409 = arith.constant 0 : index
      %parallel_loop3A_410 = tpu.vector_load %arg7[%parallel_loop3A_407, %parallel_loop3A_408, %parallel_loop3A_409] {strides = array<i32>} : memref<3x128x128xf32, #tpu.memory_space<vmem>>, vector<1x1x16xf32>,
      %parallel_loop3A_411 = vector.shape_cast %parallel_loop3A_410 : vector<1x1x16xf32> to vector<16xf32>
      %parallel_loop3A_412 = arith.constant 0 : i32
      %parallel_loop3A_413 = arith.index_cast %parallel_loop3A_412 : i32 to index
      %parallel_loop3A_414 = arith.index_cast %parallel_loop3A_405 : i32 to index
      %parallel_loop3A_415 = arith.constant 0 : index
      %parallel_loop3A_416 = tpu.vector_load %arg8[%parallel_loop3A_413, %parallel_loop3A_414, %parallel_loop3A_415] {strides = array<i32>} : memref<4x128x128xf32, #tpu.memory_space<vmem>>, vector<1x1x16xf32>,
      %parallel_loop3A_417 = vector.shape_cast %parallel_loop3A_416 : vector<1x1x16xf32> to vector<16xf32>
      %parallel_loop3A_418 = arith.mulf %parallel_loop3A_411, %parallel_loop3A_417 : vector<16xf32>
      %parallel_loop3A_419 = arith.constant 0 : i32
      %parallel_loop3A_420 = arith.index_cast %parallel_loop3A_419 : i32 to index
      %parallel_loop3A_421 = arith.index_cast %parallel_loop3A_405 : i32 to index
      %parallel_loop3A_422 = arith.constant 0 : index
      %parallel_loop3A_423 = tpu.vector_load %arg8[%parallel_loop3A_420, %parallel_loop3A_421, %parallel_loop3A_422] {strides = array<i32>} : memref<4x128x128xf32, #tpu.memory_space<vmem>>, vector<1x1x16xf32>,
      %parallel_loop3A_424 = vector.shape_cast %parallel_loop3A_423 : vector<1x1x16xf32> to vector<16xf32>
      %parallel_loop3A_425 = vector.shape_cast %parallel_loop3A_418 : vector<16xf32> to vector<1x1x16xf32>
      tpu.vector_store %arg8[%parallel_loop3A_420, %parallel_loop3A_421, %parallel_loop3A_422], %parallel_loop3A_425 {strides = array<i32>} : memref<4x128x128xf32, #tpu.memory_space<vmem>>, vector<1x1x16xf32>,
      %parallel_loop3A_426 = arith.constant 0 : i32
      %parallel_loop3A_427 = arith.index_cast %parallel_loop3A_426 : i32 to index
      %parallel_loop3A_428 = arith.index_cast %parallel_loop3A_405 : i32 to index
      %parallel_loop3A_429 = arith.constant 16 : index
      %parallel_loop3A_430 = tpu.vector_load %arg7[%parallel_loop3A_427, %parallel_loop3A_428, %parallel_loop3A_429] {strides = array<i32>} : memref<3x128x128xf32, #tpu.memory_space<vmem>>, vector<1x1x16xf32>,
      %parallel_loop3A_431 = vector.shape_cast %parallel_loop3A_430 : vector<1x1x16xf32> to vector<16xf32>
      %parallel_loop3A_432 = arith.constant 0 : i32
      %parallel_loop3A_433 = arith.index_cast %parallel_loop3A_432 : i32 to index
      %parallel_loop3A_434 = arith.index_cast %parallel_loop3A_405 : i32 to index
      %parallel_loop3A_435 = arith.constant 16 : index
      %parallel_loop3A_436 = tpu.vector_load %arg8[%parallel_loop3A_433, %parallel_loop3A_434, %parallel_loop3A_435] {strides = array<i32>} : memref<4x128x128xf32, #tpu.memory_space<vmem>>, vector<1x1x16xf32>,
      %parallel_loop3A_437 = vector.shape_cast %parallel_loop3A_436 : vector<1x1x16xf32> to vector<16xf32>
      %parallel_loop3A_438 = arith.mulf %parallel_loop3A_431, %parallel_loop3A_437 : vector<16xf32>
      %parallel_loop3A_439 = arith.constant 0 : i32
      %parallel_loop3A_440 = arith.index_cast %parallel_loop3A_439 : i32 to index
      %parallel_loop3A_441 = arith.index_cast %parallel_loop3A_405 : i32 to index
      %parallel_loop3A_442 = arith.constant 16 : index
      %parallel_loop3A_443 = tpu.vector_load %arg8[%parallel_loop3A_440, %parallel_loop3A_441, %parallel_loop3A_442] {strides = array<i32>} : memref<4x128x128xf32, #tpu.memory_space<vmem>>, vector<1x1x16xf32>,
      %parallel_loop3A_444 = vector.shape_cast %parallel_loop3A_443 : vector<1x1x16xf32> to vector<16xf32>
      %parallel_loop3A_445 = vector.shape_cast %parallel_loop3A_438 : vector<16xf32> to vector<1x1x16xf32>
      tpu.vector_store %arg8[%parallel_loop3A_440, %parallel_loop3A_441, %parallel_loop3A_442], %parallel_loop3A_445 {strides = array<i32>} : memref<4x128x128xf32, #tpu.memory_space<vmem>>, vector<1x1x16xf32>,
      %parallel_loop3A_446 = arith.constant 0 : i32
      %parallel_loop3A_447 = arith.index_cast %parallel_loop3A_446 : i32 to index
      %parallel_loop3A_448 = arith.index_cast %parallel_loop3A_405 : i32 to index
      %parallel_loop3A_449 = arith.constant 32 : index
      %parallel_loop3A_450 = tpu.vector_load %arg7[%parallel_loop3A_447, %parallel_loop3A_448, %parallel_loop3A_449] {strides = array<i32>} : memref<3x128x128xf32, #tpu.memory_space<vmem>>, vector<1x1x16xf32>,
      %parallel_loop3A_451 = vector.shape_cast %parallel_loop3A_450 : vector<1x1x16xf32> to vector<16xf32>
      %parallel_loop3A_452 = arith.constant 0 : i32
      %parallel_loop3A_453 = arith.index_cast %parallel_loop3A_452 : i32 to index
      %parallel_loop3A_454 = arith.index_cast %parallel_loop3A_405 : i32 to index
      %parallel_loop3A_455 = arith.constant 32 : index
      %parallel_loop3A_456 = tpu.vector_load %arg8[%parallel_loop3A_453, %parallel_loop3A_454, %parallel_loop3A_455] {strides = array<i32>} : memref<4x128x128xf32, #tpu.memory_space<vmem>>, vector<1x1x16xf32>,
      %parallel_loop3A_457 = vector.shape_cast %parallel_loop3A_456 : vector<1x1x16xf32> to vector<16xf32>
      %parallel_loop3A_458 = arith.mulf %parallel_loop3A_451, %parallel_loop3A_457 : vector<16xf32>
      %parallel_loop3A_459 = arith.constant 0 : i32
      %parallel_loop3A_460 = arith.index_cast %parallel_loop3A_459 : i32 to index
      %parallel_loop3A_461 = arith.index_cast %parallel_loop3A_405 : i32 to index
      %parallel_loop3A_462 = arith.constant 32 : index
      %parallel_loop3A_463 = tpu.vector_load %arg8[%parallel_loop3A_460, %parallel_loop3A_461, %parallel_loop3A_462] {strides = array<i32>} : memref<4x128x128xf32, #tpu.memory_space<vmem>>, vector<1x1x16xf32>,
      %parallel_loop3A_464 = vector.shape_cast %parallel_loop3A_463 : vector<1x1x16xf32> to vector<16xf32>
      %parallel_loop3A_465 = vector.shape_cast %parallel_loop3A_458 : vector<16xf32> to vector<1x1x16xf32>
      tpu.vector_store %arg8[%parallel_loop3A_460, %parallel_loop3A_461, %parallel_loop3A_462], %parallel_loop3A_465 {strides = array<i32>} : memref<4x128x128xf32, #tpu.memory_space<vmem>>, vector<1x1x16xf32>,
      %parallel_loop3A_466 = arith.constant 0 : i32
      %parallel_loop3A_467 = arith.index_cast %parallel_loop3A_466 : i32 to index
      %parallel_loop3A_468 = arith.index_cast %parallel_loop3A_405 : i32 to index
      %parallel_loop3A_469 = arith.constant 48 : index
      %parallel_loop3A_470 = tpu.vector_load %arg7[%parallel_loop3A_467, %parallel_loop3A_468, %parallel_loop3A_469] {strides = array<i32>} : memref<3x128x128xf32, #tpu.memory_space<vmem>>, vector<1x1x16xf32>,
      %parallel_loop3A_471 = vector.shape_cast %parallel_loop3A_470 : vector<1x1x16xf32> to vector<16xf32>
      %parallel_loop3A_472 = arith.constant 0 : i32
      %parallel_loop3A_473 = arith.index_cast %parallel_loop3A_472 : i32 to index
      %parallel_loop3A_474 = arith.index_cast %parallel_loop3A_405 : i32 to index
      %parallel_loop3A_475 = arith.constant 48 : index
      %parallel_loop3A_476 = tpu.vector_load %arg8[%parallel_loop3A_473, %parallel_loop3A_474, %parallel_loop3A_475] {strides = array<i32>} : memref<4x128x128xf32, #tpu.memory_space<vmem>>, vector<1x1x16xf32>,
      %parallel_loop3A_477 = vector.shape_cast %parallel_loop3A_476 : vector<1x1x16xf32> to vector<16xf32>
      %parallel_loop3A_478 = arith.mulf %parallel_loop3A_471, %parallel_loop3A_477 : vector<16xf32>
      %parallel_loop3A_479 = arith.constant 0 : i32
      %parallel_loop3A_480 = arith.index_cast %parallel_loop3A_479 : i32 to index
      %parallel_loop3A_481 = arith.index_cast %parallel_loop3A_405 : i32 to index
      %parallel_loop3A_482 = arith.constant 48 : index
      %parallel_loop3A_483 = tpu.vector_load %arg8[%parallel_loop3A_480, %parallel_loop3A_481, %parallel_loop3A_482] {strides = array<i32>} : memref<4x128x128xf32, #tpu.memory_space<vmem>>, vector<1x1x16xf32>,
      %parallel_loop3A_484 = vector.shape_cast %parallel_loop3A_483 : vector<1x1x16xf32> to vector<16xf32>
      %parallel_loop3A_485 = vector.shape_cast %parallel_loop3A_478 : vector<16xf32> to vector<1x1x16xf32>
      tpu.vector_store %arg8[%parallel_loop3A_480, %parallel_loop3A_481, %parallel_loop3A_482], %parallel_loop3A_485 {strides = array<i32>} : memref<4x128x128xf32, #tpu.memory_space<vmem>>, vector<1x1x16xf32>,
      %parallel_loop3A_486 = arith.constant 0 : i32
      %parallel_loop3A_487 = arith.index_cast %parallel_loop3A_486 : i32 to index
      %parallel_loop3A_488 = arith.index_cast %parallel_loop3A_405 : i32 to index
      %parallel_loop3A_489 = arith.constant 64 : index
      %parallel_loop3A_490 = tpu.vector_load %arg7[%parallel_loop3A_487, %parallel_loop3A_488, %parallel_loop3A_489] {strides = array<i32>} : memref<3x128x128xf32, #tpu.memory_space<vmem>>, vector<1x1x16xf32>,
      %parallel_loop3A_491 = vector.shape_cast %parallel_loop3A_490 : vector<1x1x16xf32> to vector<16xf32>
      %parallel_loop3A_492 = arith.constant 0 : i32
      %parallel_loop3A_493 = arith.index_cast %parallel_loop3A_492 : i32 to index
      %parallel_loop3A_494 = arith.index_cast %parallel_loop3A_405 : i32 to index
      %parallel_loop3A_495 = arith.constant 64 : index
      %parallel_loop3A_496 = tpu.vector_load %arg8[%parallel_loop3A_493, %parallel_loop3A_494, %parallel_loop3A_495] {strides = array<i32>} : memref<4x128x128xf32, #tpu.memory_space<vmem>>, vector<1x1x16xf32>,
      %parallel_loop3A_497 = vector.shape_cast %parallel_loop3A_496 : vector<1x1x16xf32> to vector<16xf32>
      %parallel_loop3A_498 = arith.mulf %parallel_loop3A_491, %parallel_loop3A_497 : vector<16xf32>
      %parallel_loop3A_499 = arith.constant 0 : i32
      %parallel_loop3A_500 = arith.index_cast %parallel_loop3A_499 : i32 to index
      %parallel_loop3A_501 = arith.index_cast %parallel_loop3A_405 : i32 to index
      %parallel_loop3A_502 = arith.constant 64 : index
      %parallel_loop3A_503 = tpu.vector_load %arg8[%parallel_loop3A_500, %parallel_loop3A_501, %parallel_loop3A_502] {strides = array<i32>} : memref<4x128x128xf32, #tpu.memory_space<vmem>>, vector<1x1x16xf32>,
      %parallel_loop3A_504 = vector.shape_cast %parallel_loop3A_503 : vector<1x1x16xf32> to vector<16xf32>
      %parallel_loop3A_505 = vector.shape_cast %parallel_loop3A_498 : vector<16xf32> to vector<1x1x16xf32>
      tpu.vector_store %arg8[%parallel_loop3A_500, %parallel_loop3A_501, %parallel_loop3A_502], %parallel_loop3A_505 {strides = array<i32>} : memref<4x128x128xf32, #tpu.memory_space<vmem>>, vector<1x1x16xf32>,
      %parallel_loop3A_506 = arith.constant 0 : i32
      %parallel_loop3A_507 = arith.index_cast %parallel_loop3A_506 : i32 to index
      %parallel_loop3A_508 = arith.index_cast %parallel_loop3A_405 : i32 to index
      %parallel_loop3A_509 = arith.constant 80 : index
      %parallel_loop3A_510 = tpu.vector_load %arg7[%parallel_loop3A_507, %parallel_loop3A_508, %parallel_loop3A_509] {strides = array<i32>} : memref<3x128x128xf32, #tpu.memory_space<vmem>>, vector<1x1x16xf32>,
      %parallel_loop3A_511 = vector.shape_cast %parallel_loop3A_510 : vector<1x1x16xf32> to vector<16xf32>
      %parallel_loop3A_512 = arith.constant 0 : i32
      %parallel_loop3A_513 = arith.index_cast %parallel_loop3A_512 : i32 to index
      %parallel_loop3A_514 = arith.index_cast %parallel_loop3A_405 : i32 to index
      %parallel_loop3A_515 = arith.constant 80 : index
      %parallel_loop3A_516 = tpu.vector_load %arg8[%parallel_loop3A_513, %parallel_loop3A_514, %parallel_loop3A_515] {strides = array<i32>} : memref<4x128x128xf32, #tpu.memory_space<vmem>>, vector<1x1x16xf32>,
      %parallel_loop3A_517 = vector.shape_cast %parallel_loop3A_516 : vector<1x1x16xf32> to vector<16xf32>
      %parallel_loop3A_518 = arith.mulf %parallel_loop3A_511, %parallel_loop3A_517 : vector<16xf32>
      %parallel_loop3A_519 = arith.constant 0 : i32
      %parallel_loop3A_520 = arith.index_cast %parallel_loop3A_519 : i32 to index
      %parallel_loop3A_521 = arith.index_cast %parallel_loop3A_405 : i32 to index
      %parallel_loop3A_522 = arith.constant 80 : index
      %parallel_loop3A_523 = tpu.vector_load %arg8[%parallel_loop3A_520, %parallel_loop3A_521, %parallel_loop3A_522] {strides = array<i32>} : memref<4x128x128xf32, #tpu.memory_space<vmem>>, vector<1x1x16xf32>,
      %parallel_loop3A_524 = vector.shape_cast %parallel_loop3A_523 : vector<1x1x16xf32> to vector<16xf32>
      %parallel_loop3A_525 = vector.shape_cast %parallel_loop3A_518 : vector<16xf32> to vector<1x1x16xf32>
      tpu.vector_store %arg8[%parallel_loop3A_520, %parallel_loop3A_521, %parallel_loop3A_522], %parallel_loop3A_525 {strides = array<i32>} : memref<4x128x128xf32, #tpu.memory_space<vmem>>, vector<1x1x16xf32>,
      %parallel_loop3A_526 = arith.constant 0 : i32
      %parallel_loop3A_527 = arith.index_cast %parallel_loop3A_526 : i32 to index
      %parallel_loop3A_528 = arith.index_cast %parallel_loop3A_405 : i32 to index
      %parallel_loop3A_529 = arith.constant 96 : index
      %parallel_loop3A_530 = tpu.vector_load %arg7[%parallel_loop3A_527, %parallel_loop3A_528, %parallel_loop3A_529] {strides = array<i32>} : memref<3x128x128xf32, #tpu.memory_space<vmem>>, vector<1x1x16xf32>,
      %parallel_loop3A_531 = vector.shape_cast %parallel_loop3A_530 : vector<1x1x16xf32> to vector<16xf32>
      %parallel_loop3A_532 = arith.constant 0 : i32
      %parallel_loop3A_533 = arith.index_cast %parallel_loop3A_532 : i32 to index
      %parallel_loop3A_534 = arith.index_cast %parallel_loop3A_405 : i32 to index
      %parallel_loop3A_535 = arith.constant 96 : index
      %parallel_loop3A_536 = tpu.vector_load %arg8[%parallel_loop3A_533, %parallel_loop3A_534, %parallel_loop3A_535] {strides = array<i32>} : memref<4x128x128xf32, #tpu.memory_space<vmem>>, vector<1x1x16xf32>,
      %parallel_loop3A_537 = vector.shape_cast %parallel_loop3A_536 : vector<1x1x16xf32> to vector<16xf32>
      %parallel_loop3A_538 = arith.mulf %parallel_loop3A_531, %parallel_loop3A_537 : vector<16xf32>
      %parallel_loop3A_539 = arith.constant 0 : i32
      %parallel_loop3A_540 = arith.index_cast %parallel_loop3A_539 : i32 to index
      %parallel_loop3A_541 = arith.index_cast %parallel_loop3A_405 : i32 to index
      %parallel_loop3A_542 = arith.constant 96 : index
      %parallel_loop3A_543 = tpu.vector_load %arg8[%parallel_loop3A_540, %parallel_loop3A_541, %parallel_loop3A_542] {strides = array<i32>} : memref<4x128x128xf32, #tpu.memory_space<vmem>>, vector<1x1x16xf32>,
      %parallel_loop3A_544 = vector.shape_cast %parallel_loop3A_543 : vector<1x1x16xf32> to vector<16xf32>
      %parallel_loop3A_545 = vector.shape_cast %parallel_loop3A_538 : vector<16xf32> to vector<1x1x16xf32>
      tpu.vector_store %arg8[%parallel_loop3A_540, %parallel_loop3A_541, %parallel_loop3A_542], %parallel_loop3A_545 {strides = array<i32>} : memref<4x128x128xf32, #tpu.memory_space<vmem>>, vector<1x1x16xf32>,
      %parallel_loop3A_546 = arith.constant 0 : i32
      %parallel_loop3A_547 = arith.index_cast %parallel_loop3A_546 : i32 to index
      %parallel_loop3A_548 = arith.index_cast %parallel_loop3A_405 : i32 to index
      %parallel_loop3A_549 = arith.constant 112 : index
      %parallel_loop3A_550 = tpu.vector_load %arg7[%parallel_loop3A_547, %parallel_loop3A_548, %parallel_loop3A_549] {strides = array<i32>} : memref<3x128x128xf32, #tpu.memory_space<vmem>>, vector<1x1x16xf32>,
      %parallel_loop3A_551 = vector.shape_cast %parallel_loop3A_550 : vector<1x1x16xf32> to vector<16xf32>
      %parallel_loop3A_552 = arith.constant 0 : i32
      %parallel_loop3A_553 = arith.index_cast %parallel_loop3A_552 : i32 to index
      %parallel_loop3A_554 = arith.index_cast %parallel_loop3A_405 : i32 to index
      %parallel_loop3A_555 = arith.constant 112 : index
      %parallel_loop3A_556 = tpu.vector_load %arg8[%parallel_loop3A_553, %parallel_loop3A_554, %parallel_loop3A_555] {strides = array<i32>} : memref<4x128x128xf32, #tpu.memory_space<vmem>>, vector<1x1x16xf32>,
      %parallel_loop3A_557 = vector.shape_cast %parallel_loop3A_556 : vector<1x1x16xf32> to vector<16xf32>
      %parallel_loop3A_558 = arith.mulf %parallel_loop3A_551, %parallel_loop3A_557 : vector<16xf32>
      %parallel_loop3A_559 = arith.constant 0 : i32
      %parallel_loop3A_560 = arith.index_cast %parallel_loop3A_559 : i32 to index
      %parallel_loop3A_561 = arith.index_cast %parallel_loop3A_405 : i32 to index
      %parallel_loop3A_562 = arith.constant 112 : index
      %parallel_loop3A_563 = tpu.vector_load %arg8[%parallel_loop3A_560, %parallel_loop3A_561, %parallel_loop3A_562] {strides = array<i32>} : memref<4x128x128xf32, #tpu.memory_space<vmem>>, vector<1x1x16xf32>,
      %parallel_loop3A_564 = vector.shape_cast %parallel_loop3A_563 : vector<1x1x16xf32> to vector<16xf32>
      %parallel_loop3A_565 = vector.shape_cast %parallel_loop3A_558 : vector<16xf32> to vector<1x1x16xf32>
      tpu.vector_store %arg8[%parallel_loop3A_560, %parallel_loop3A_561, %parallel_loop3A_562], %parallel_loop3A_565 {strides = array<i32>} : memref<4x128x128xf32, #tpu.memory_space<vmem>>, vector<1x1x16xf32>,
    } {sc.loop_unroll_factor = 1 : i64, sc.parallel_access}
    %add3A_143 = arith.constant 0 : i32
    %add3A_144 = arith.addi %mul3A_2, %add3A_143 : i32
    %add3A_145 = arith.constant 0 : i32
    %add3A_146 = arith.addi %add3A_144, %add3A_145 : i32
    %dma_start3A_147 = arith.constant 0 : i32
    %dma_start3A_148 = arith.constant 0 : i32
    %dma_start3A_149 = arith.constant 0 : i32
    %dma_start3A_150 = tpu.memref_slice %arg8[%dma_start3A_147, %dma_start3A_148, %dma_start3A_149] : memref<4x128x128xf32, #tpu.memory_space<vmem>> -> memref<1x128x128xf32, #tpu.memory_space<vmem>>
    %dma_start3A_151 = tpu.memref_squeeze %dma_start3A_150 : memref<1x128x128xf32, #tpu.memory_space<vmem>> -> memref<128x128xf32, #tpu.memory_space<vmem>>
    %dma_start3A_152 = arith.constant 0 : i32
    %dma_start3A_153 = tpu.memref_slice %arg5[%add3A_146, %dma_start3A_152] : memref<16384x128xf32, #tpu.memory_space<hbm>> -> memref<128x128xf32, #tpu.memory_space<hbm>>
    %dma_start3A_154 = arith.constant 0 : i32
    %dma_start3A_155 = tpu.memref_slice %arg5[%add3A_146, %dma_start3A_154] : memref<16384x128xf32, #tpu.memory_space<hbm>> -> memref<128x128xf32, #tpu.memory_space<hbm>>
    %dma_start3A_156 = arith.constant 0 : i32
    %dma_start3A_157 = arith.constant 0 : i32
    %dma_start3A_158 = tpu.memref_slice %arg8[%dma_start3A_147, %dma_start3A_156, %dma_start3A_157] : memref<4x128x128xf32, #tpu.memory_space<vmem>> -> memref<1x128x128xf32, #tpu.memory_space<vmem>>
    %dma_start3A_159 = tpu.memref_squeeze %dma_start3A_158 : memref<1x128x128xf32, #tpu.memory_space<vmem>> -> memref<128x128xf32, #tpu.memory_space<vmem>>
    tpu.enqueue_dma source(%dma_start3A_159 : memref<128x128xf32, #tpu.memory_space<vmem>>) target(%dma_start3A_155 : memref<128x128xf32, #tpu.memory_space<hbm>>) target_semaphore(%arg11 : memref<!tpu.dma_semaphore, #tpu.memory_space<semaphore_mem>>)
    %dma_start3A_160 = arith.constant 0 : i32
    %dma_start3A_161 = arith.constant 0 : i32
    %dma_start3A_162 = arith.constant 0 : i32
    %dma_start3A_163 = arith.constant 0 : i32
    %dma_start3A_164 = tpu.memref_slice %arg7[%dma_start3A_160, %dma_start3A_162, %dma_start3A_163] : memref<3x128x128xf32, #tpu.memory_space<vmem>> -> memref<1x128x128xf32, #tpu.memory_space<vmem>>
    %dma_start3A_165 = tpu.memref_squeeze %dma_start3A_164 : memref<1x128x128xf32, #tpu.memory_space<vmem>> -> memref<128x128xf32, #tpu.memory_space<vmem>>
    %dma_start3A_166 = arith.constant 384 : i32
    %dma_start3A_167 = tpu.memref_slice %arg6[%dma_start3A_166] : memref<512xi32, #tpu.memory_space<vmem>> -> memref<128xi32, #tpu.memory_space<vmem>>
    %dma_start3A_168 = arith.constant 0 : i32
    %dma_start3A_169 = arith.constant 0 : i32
    %dma_start3A_170 = tpu.memref_slice %arg2[%dma_start3A_168, %dma_start3A_169] : memref<100000x128xf32, #tpu.memory_space<hbm>> -> memref<100000x128xf32, #tpu.memory_space<hbm>>
    %dma_start3A_171 = tpu.memref_slice %arg9[%dma_start3A_161] : memref<3x!tpu.dma_semaphore, #tpu.memory_space<semaphore_mem>> -> memref<1x!tpu.dma_semaphore, #tpu.memory_space<semaphore_mem>>
    %dma_start3A_172 = tpu.memref_squeeze %dma_start3A_171 : memref<1x!tpu.dma_semaphore, #tpu.memory_space<semaphore_mem>> -> memref<!tpu.dma_semaphore, #tpu.memory_space<semaphore_mem>>
    tpu.enqueue_indirect_dma source(%dma_start3A_170 : memref<100000x128xf32, #tpu.memory_space<hbm>>) target(%dma_start3A_165 : memref<128x128xf32, #tpu.memory_space<vmem>>) offsets(%dma_start3A_167 : memref<128xi32, #tpu.memory_space<vmem>>) semaphore(%dma_start3A_172 : memref<!tpu.dma_semaphore, #tpu.memory_space<semaphore_mem>>)
    %dma_wait3A_173 = arith.constant 1 : i32
    %dma_wait3A_174 = arith.constant 1 : i32
    %dma_wait3A_175 = arith.constant 0 : i32
    %dma_wait3A_176 = arith.constant 0 : i32
    %dma_wait3A_177 = tpu.memref_slice %arg7[%dma_wait3A_173, %dma_wait3A_175, %dma_wait3A_176] : memref<3x128x128xf32, #tpu.memory_space<vmem>> -> memref<1x128x128xf32, #tpu.memory_space<vmem>>
    %dma_wait3A_178 = tpu.memref_squeeze %dma_wait3A_177 : memref<1x128x128xf32, #tpu.memory_space<vmem>> -> memref<128x128xf32, #tpu.memory_space<vmem>>
    %dma_wait3A_179 = arith.constant 128 : i32
    %dma_wait3A_180 = tpu.memref_slice %arg6[%dma_wait3A_179] : memref<512xi32, #tpu.memory_space<vmem>> -> memref<128xi32, #tpu.memory_space<vmem>>
    %dma_wait3A_181 = arith.constant 0 : i32
    %dma_wait3A_182 = arith.constant 0 : i32
    %dma_wait3A_183 = tpu.memref_slice %arg2[%dma_wait3A_181, %dma_wait3A_182] : memref<100000x128xf32, #tpu.memory_space<hbm>> -> memref<100000x128xf32, #tpu.memory_space<hbm>>
    %dma_wait3A_184 = tpu.memref_slice %arg9[%dma_wait3A_174] : memref<3x!tpu.dma_semaphore, #tpu.memory_space<semaphore_mem>> -> memref<1x!tpu.dma_semaphore, #tpu.memory_space<semaphore_mem>>
    %dma_wait3A_185 = tpu.memref_squeeze %dma_wait3A_184 : memref<1x!tpu.dma_semaphore, #tpu.memory_space<semaphore_mem>> -> memref<!tpu.dma_semaphore, #tpu.memory_space<semaphore_mem>>
    tpu.wait_indirect_dma semaphore(%dma_wait3A_185 : memref<!tpu.dma_semaphore, #tpu.memory_space<semaphore_mem>>) src(%dma_wait3A_183 : memref<100000x128xf32, #tpu.memory_space<hbm>>) dst(%dma_wait3A_178 : memref<128x128xf32, #tpu.memory_space<vmem>>)
    %dma_wait3A_186 = arith.constant 1 : i32
    %dma_wait3A_187 = arith.constant 1 : i32
    %dma_wait3A_188 = arith.constant 0 : i32
    %dma_wait3A_189 = arith.constant 0 : i32
    %dma_wait3A_190 = tpu.memref_slice %arg8[%dma_wait3A_186, %dma_wait3A_188, %dma_wait3A_189] : memref<4x128x128xf32, #tpu.memory_space<vmem>> -> memref<1x128x128xf32, #tpu.memory_space<vmem>>
    %dma_wait3A_191 = tpu.memref_squeeze %dma_wait3A_190 : memref<1x128x128xf32, #tpu.memory_space<vmem>> -> memref<128x128xf32, #tpu.memory_space<vmem>>
    %dma_wait3A_192 = arith.constant 0 : i32
    %dma_wait3A_193 = tpu.memref_slice %arg3[%add3A_60, %dma_wait3A_192] : memref<16384x128xf32, #tpu.memory_space<hbm>> -> memref<128x128xf32, #tpu.memory_space<hbm>>
    %dma_wait3A_194 = tpu.memref_slice %arg10[%dma_wait3A_187] : memref<4x!tpu.dma_semaphore, #tpu.memory_space<semaphore_mem>> -> memref<1x!tpu.dma_semaphore, #tpu.memory_space<semaphore_mem>>
    %dma_wait3A_195 = tpu.memref_squeeze %dma_wait3A_194 : memref<1x!tpu.dma_semaphore, #tpu.memory_space<semaphore_mem>> -> memref<!tpu.dma_semaphore, #tpu.memory_space<semaphore_mem>>
    %dma_wait3A_196 = arith.constant 0 : i32
    %dma_wait3A_197 = arith.constant 0 : i32
    %dma_wait3A_198 = tpu.memref_slice %arg8[%dma_wait3A_186, %dma_wait3A_196, %dma_wait3A_197] : memref<4x128x128xf32, #tpu.memory_space<vmem>> -> memref<1x128x128xf32, #tpu.memory_space<vmem>>
    %dma_wait3A_199 = tpu.memref_squeeze %dma_wait3A_198 : memref<1x128x128xf32, #tpu.memory_space<vmem>> -> memref<128x128xf32, #tpu.memory_space<vmem>>
    %dma_wait3A_200 = arith.constant 0 : i32
    %dma_wait3A_201 = tpu.memref_slice %arg3[%add3A_60, %dma_wait3A_200] : memref<16384x128xf32, #tpu.memory_space<hbm>> -> memref<128x128xf32, #tpu.memory_space<hbm>>
    tpu.wait_dma2 semaphore(%dma_wait3A_195 : memref<!tpu.dma_semaphore, #tpu.memory_space<semaphore_mem>>) src(%dma_wait3A_201 : memref<128x128xf32, #tpu.memory_space<hbm>>) dst(%dma_wait3A_199 : memref<128x128xf32, #tpu.memory_space<vmem>>)
    %parallel_loop3A_202 = arith.constant 0 : i32
    %parallel_loop3A_203 = arith.constant 128 : i32
    %parallel_loop3A_204 = arith.constant 1 : i32
    scf.for %parallel_loop3A_405 = %parallel_loop3A_202 to %parallel_loop3A_203 step %parallel_loop3A_204  : i32 {
      %parallel_loop3A_406 = arith.constant 1 : i32
      %parallel_loop3A_407 = arith.index_cast %parallel_loop3A_406 : i32 to index
      %parallel_loop3A_408 = arith.index_cast %parallel_loop3A_405 : i32 to index
      %parallel_loop3A_409 = arith.constant 0 : index
      %parallel_loop3A_410 = tpu.vector_load %arg7[%parallel_loop3A_407, %parallel_loop3A_408, %parallel_loop3A_409] {strides = array<i32>} : memref<3x128x128xf32, #tpu.memory_space<vmem>>, vector<1x1x16xf32>,
      %parallel_loop3A_411 = vector.shape_cast %parallel_loop3A_410 : vector<1x1x16xf32> to vector<16xf32>
      %parallel_loop3A_412 = arith.constant 1 : i32
      %parallel_loop3A_413 = arith.index_cast %parallel_loop3A_412 : i32 to index
      %parallel_loop3A_414 = arith.index_cast %parallel_loop3A_405 : i32 to index
      %parallel_loop3A_415 = arith.constant 0 : index
      %parallel_loop3A_416 = tpu.vector_load %arg8[%parallel_loop3A_413, %parallel_loop3A_414, %parallel_loop3A_415] {strides = array<i32>} : memref<4x128x128xf32, #tpu.memory_space<vmem>>, vector<1x1x16xf32>,
      %parallel_loop3A_417 = vector.shape_cast %parallel_loop3A_416 : vector<1x1x16xf32> to vector<16xf32>
      %parallel_loop3A_418 = arith.mulf %parallel_loop3A_411, %parallel_loop3A_417 : vector<16xf32>
      %parallel_loop3A_419 = arith.constant 1 : i32
      %parallel_loop3A_420 = arith.index_cast %parallel_loop3A_419 : i32 to index
      %parallel_loop3A_421 = arith.index_cast %parallel_loop3A_405 : i32 to index
      %parallel_loop3A_422 = arith.constant 0 : index
      %parallel_loop3A_423 = tpu.vector_load %arg8[%parallel_loop3A_420, %parallel_loop3A_421, %parallel_loop3A_422] {strides = array<i32>} : memref<4x128x128xf32, #tpu.memory_space<vmem>>, vector<1x1x16xf32>,
      %parallel_loop3A_424 = vector.shape_cast %parallel_loop3A_423 : vector<1x1x16xf32> to vector<16xf32>
      %parallel_loop3A_425 = vector.shape_cast %parallel_loop3A_418 : vector<16xf32> to vector<1x1x16xf32>
      tpu.vector_store %arg8[%parallel_loop3A_420, %parallel_loop3A_421, %parallel_loop3A_422], %parallel_loop3A_425 {strides = array<i32>} : memref<4x128x128xf32, #tpu.memory_space<vmem>>, vector<1x1x16xf32>,
      %parallel_loop3A_426 = arith.constant 1 : i32
      %parallel_loop3A_427 = arith.index_cast %parallel_loop3A_426 : i32 to index
      %parallel_loop3A_428 = arith.index_cast %parallel_loop3A_405 : i32 to index
      %parallel_loop3A_429 = arith.constant 16 : index
      %parallel_loop3A_430 = tpu.vector_load %arg7[%parallel_loop3A_427, %parallel_loop3A_428, %parallel_loop3A_429] {strides = array<i32>} : memref<3x128x128xf32, #tpu.memory_space<vmem>>, vector<1x1x16xf32>,
      %parallel_loop3A_431 = vector.shape_cast %parallel_loop3A_430 : vector<1x1x16xf32> to vector<16xf32>
      %parallel_loop3A_432 = arith.constant 1 : i32
      %parallel_loop3A_433 = arith.index_cast %parallel_loop3A_432 : i32 to index
      %parallel_loop3A_434 = arith.index_cast %parallel_loop3A_405 : i32 to index
      %parallel_loop3A_435 = arith.constant 16 : index
      %parallel_loop3A_436 = tpu.vector_load %arg8[%parallel_loop3A_433, %parallel_loop3A_434, %parallel_loop3A_435] {strides = array<i32>} : memref<4x128x128xf32, #tpu.memory_space<vmem>>, vector<1x1x16xf32>,
      %parallel_loop3A_437 = vector.shape_cast %parallel_loop3A_436 : vector<1x1x16xf32> to vector<16xf32>
      %parallel_loop3A_438 = arith.mulf %parallel_loop3A_431, %parallel_loop3A_437 : vector<16xf32>
      %parallel_loop3A_439 = arith.constant 1 : i32
      %parallel_loop3A_440 = arith.index_cast %parallel_loop3A_439 : i32 to index
      %parallel_loop3A_441 = arith.index_cast %parallel_loop3A_405 : i32 to index
      %parallel_loop3A_442 = arith.constant 16 : index
      %parallel_loop3A_443 = tpu.vector_load %arg8[%parallel_loop3A_440, %parallel_loop3A_441, %parallel_loop3A_442] {strides = array<i32>} : memref<4x128x128xf32, #tpu.memory_space<vmem>>, vector<1x1x16xf32>,
      %parallel_loop3A_444 = vector.shape_cast %parallel_loop3A_443 : vector<1x1x16xf32> to vector<16xf32>
      %parallel_loop3A_445 = vector.shape_cast %parallel_loop3A_438 : vector<16xf32> to vector<1x1x16xf32>
      tpu.vector_store %arg8[%parallel_loop3A_440, %parallel_loop3A_441, %parallel_loop3A_442], %parallel_loop3A_445 {strides = array<i32>} : memref<4x128x128xf32, #tpu.memory_space<vmem>>, vector<1x1x16xf32>,
      %parallel_loop3A_446 = arith.constant 1 : i32
      %parallel_loop3A_447 = arith.index_cast %parallel_loop3A_446 : i32 to index
      %parallel_loop3A_448 = arith.index_cast %parallel_loop3A_405 : i32 to index
      %parallel_loop3A_449 = arith.constant 32 : index
      %parallel_loop3A_450 = tpu.vector_load %arg7[%parallel_loop3A_447, %parallel_loop3A_448, %parallel_loop3A_449] {strides = array<i32>} : memref<3x128x128xf32, #tpu.memory_space<vmem>>, vector<1x1x16xf32>,
      %parallel_loop3A_451 = vector.shape_cast %parallel_loop3A_450 : vector<1x1x16xf32> to vector<16xf32>
      %parallel_loop3A_452 = arith.constant 1 : i32
      %parallel_loop3A_453 = arith.index_cast %parallel_loop3A_452 : i32 to index
      %parallel_loop3A_454 = arith.index_cast %parallel_loop3A_405 : i32 to index
      %parallel_loop3A_455 = arith.constant 32 : index
      %parallel_loop3A_456 = tpu.vector_load %arg8[%parallel_loop3A_453, %parallel_loop3A_454, %parallel_loop3A_455] {strides = array<i32>} : memref<4x128x128xf32, #tpu.memory_space<vmem>>, vector<1x1x16xf32>,
      %parallel_loop3A_457 = vector.shape_cast %parallel_loop3A_456 : vector<1x1x16xf32> to vector<16xf32>
      %parallel_loop3A_458 = arith.mulf %parallel_loop3A_451, %parallel_loop3A_457 : vector<16xf32>
      %parallel_loop3A_459 = arith.constant 1 : i32
      %parallel_loop3A_460 = arith.index_cast %parallel_loop3A_459 : i32 to index
      %parallel_loop3A_461 = arith.index_cast %parallel_loop3A_405 : i32 to index
      %parallel_loop3A_462 = arith.constant 32 : index
      %parallel_loop3A_463 = tpu.vector_load %arg8[%parallel_loop3A_460, %parallel_loop3A_461, %parallel_loop3A_462] {strides = array<i32>} : memref<4x128x128xf32, #tpu.memory_space<vmem>>, vector<1x1x16xf32>,
      %parallel_loop3A_464 = vector.shape_cast %parallel_loop3A_463 : vector<1x1x16xf32> to vector<16xf32>
      %parallel_loop3A_465 = vector.shape_cast %parallel_loop3A_458 : vector<16xf32> to vector<1x1x16xf32>
      tpu.vector_store %arg8[%parallel_loop3A_460, %parallel_loop3A_461, %parallel_loop3A_462], %parallel_loop3A_465 {strides = array<i32>} : memref<4x128x128xf32, #tpu.memory_space<vmem>>, vector<1x1x16xf32>,
      %parallel_loop3A_466 = arith.constant 1 : i32
      %parallel_loop3A_467 = arith.index_cast %parallel_loop3A_466 : i32 to index
      %parallel_loop3A_468 = arith.index_cast %parallel_loop3A_405 : i32 to index
      %parallel_loop3A_469 = arith.constant 48 : index
      %parallel_loop3A_470 = tpu.vector_load %arg7[%parallel_loop3A_467, %parallel_loop3A_468, %parallel_loop3A_469] {strides = array<i32>} : memref<3x128x128xf32, #tpu.memory_space<vmem>>, vector<1x1x16xf32>,
      %parallel_loop3A_471 = vector.shape_cast %parallel_loop3A_470 : vector<1x1x16xf32> to vector<16xf32>
      %parallel_loop3A_472 = arith.constant 1 : i32
      %parallel_loop3A_473 = arith.index_cast %parallel_loop3A_472 : i32 to index
      %parallel_loop3A_474 = arith.index_cast %parallel_loop3A_405 : i32 to index
      %parallel_loop3A_475 = arith.constant 48 : index
      %parallel_loop3A_476 = tpu.vector_load %arg8[%parallel_loop3A_473, %parallel_loop3A_474, %parallel_loop3A_475] {strides = array<i32>} : memref<4x128x128xf32, #tpu.memory_space<vmem>>, vector<1x1x16xf32>,
      %parallel_loop3A_477 = vector.shape_cast %parallel_loop3A_476 : vector<1x1x16xf32> to vector<16xf32>
      %parallel_loop3A_478 = arith.mulf %parallel_loop3A_471, %parallel_loop3A_477 : vector<16xf32>
      %parallel_loop3A_479 = arith.constant 1 : i32
      %parallel_loop3A_480 = arith.index_cast %parallel_loop3A_479 : i32 to index
      %parallel_loop3A_481 = arith.index_cast %parallel_loop3A_405 : i32 to index
      %parallel_loop3A_482 = arith.constant 48 : index
      %parallel_loop3A_483 = tpu.vector_load %arg8[%parallel_loop3A_480, %parallel_loop3A_481, %parallel_loop3A_482] {strides = array<i32>} : memref<4x128x128xf32, #tpu.memory_space<vmem>>, vector<1x1x16xf32>,
      %parallel_loop3A_484 = vector.shape_cast %parallel_loop3A_483 : vector<1x1x16xf32> to vector<16xf32>
      %parallel_loop3A_485 = vector.shape_cast %parallel_loop3A_478 : vector<16xf32> to vector<1x1x16xf32>
      tpu.vector_store %arg8[%parallel_loop3A_480, %parallel_loop3A_481, %parallel_loop3A_482], %parallel_loop3A_485 {strides = array<i32>} : memref<4x128x128xf32, #tpu.memory_space<vmem>>, vector<1x1x16xf32>,
      %parallel_loop3A_486 = arith.constant 1 : i32
      %parallel_loop3A_487 = arith.index_cast %parallel_loop3A_486 : i32 to index
      %parallel_loop3A_488 = arith.index_cast %parallel_loop3A_405 : i32 to index
      %parallel_loop3A_489 = arith.constant 64 : index
      %parallel_loop3A_490 = tpu.vector_load %arg7[%parallel_loop3A_487, %parallel_loop3A_488, %parallel_loop3A_489] {strides = array<i32>} : memref<3x128x128xf32, #tpu.memory_space<vmem>>, vector<1x1x16xf32>,
      %parallel_loop3A_491 = vector.shape_cast %parallel_loop3A_490 : vector<1x1x16xf32> to vector<16xf32>
      %parallel_loop3A_492 = arith.constant 1 : i32
      %parallel_loop3A_493 = arith.index_cast %parallel_loop3A_492 : i32 to index
      %parallel_loop3A_494 = arith.index_cast %parallel_loop3A_405 : i32 to index
      %parallel_loop3A_495 = arith.constant 64 : index
      %parallel_loop3A_496 = tpu.vector_load %arg8[%parallel_loop3A_493, %parallel_loop3A_494, %parallel_loop3A_495] {strides = array<i32>} : memref<4x128x128xf32, #tpu.memory_space<vmem>>, vector<1x1x16xf32>,
      %parallel_loop3A_497 = vector.shape_cast %parallel_loop3A_496 : vector<1x1x16xf32> to vector<16xf32>
      %parallel_loop3A_498 = arith.mulf %parallel_loop3A_491, %parallel_loop3A_497 : vector<16xf32>
      %parallel_loop3A_499 = arith.constant 1 : i32
      %parallel_loop3A_500 = arith.index_cast %parallel_loop3A_499 : i32 to index
      %parallel_loop3A_501 = arith.index_cast %parallel_loop3A_405 : i32 to index
      %parallel_loop3A_502 = arith.constant 64 : index
      %parallel_loop3A_503 = tpu.vector_load %arg8[%parallel_loop3A_500, %parallel_loop3A_501, %parallel_loop3A_502] {strides = array<i32>} : memref<4x128x128xf32, #tpu.memory_space<vmem>>, vector<1x1x16xf32>,
      %parallel_loop3A_504 = vector.shape_cast %parallel_loop3A_503 : vector<1x1x16xf32> to vector<16xf32>
      %parallel_loop3A_505 = vector.shape_cast %parallel_loop3A_498 : vector<16xf32> to vector<1x1x16xf32>
      tpu.vector_store %arg8[%parallel_loop3A_500, %parallel_loop3A_501, %parallel_loop3A_502], %parallel_loop3A_505 {strides = array<i32>} : memref<4x128x128xf32, #tpu.memory_space<vmem>>, vector<1x1x16xf32>,
      %parallel_loop3A_506 = arith.constant 1 : i32
      %parallel_loop3A_507 = arith.index_cast %parallel_loop3A_506 : i32 to index
      %parallel_loop3A_508 = arith.index_cast %parallel_loop3A_405 : i32 to index
      %parallel_loop3A_509 = arith.constant 80 : index
      %parallel_loop3A_510 = tpu.vector_load %arg7[%parallel_loop3A_507, %parallel_loop3A_508, %parallel_loop3A_509] {strides = array<i32>} : memref<3x128x128xf32, #tpu.memory_space<vmem>>, vector<1x1x16xf32>,
      %parallel_loop3A_511 = vector.shape_cast %parallel_loop3A_510 : vector<1x1x16xf32> to vector<16xf32>
      %parallel_loop3A_512 = arith.constant 1 : i32
      %parallel_loop3A_513 = arith.index_cast %parallel_loop3A_512 : i32 to index
      %parallel_loop3A_514 = arith.index_cast %parallel_loop3A_405 : i32 to index
      %parallel_loop3A_515 = arith.constant 80 : index
      %parallel_loop3A_516 = tpu.vector_load %arg8[%parallel_loop3A_513, %parallel_loop3A_514, %parallel_loop3A_515] {strides = array<i32>} : memref<4x128x128xf32, #tpu.memory_space<vmem>>, vector<1x1x16xf32>,
      %parallel_loop3A_517 = vector.shape_cast %parallel_loop3A_516 : vector<1x1x16xf32> to vector<16xf32>
      %parallel_loop3A_518 = arith.mulf %parallel_loop3A_511, %parallel_loop3A_517 : vector<16xf32>
      %parallel_loop3A_519 = arith.constant 1 : i32
      %parallel_loop3A_520 = arith.index_cast %parallel_loop3A_519 : i32 to index
      %parallel_loop3A_521 = arith.index_cast %parallel_loop3A_405 : i32 to index
      %parallel_loop3A_522 = arith.constant 80 : index
      %parallel_loop3A_523 = tpu.vector_load %arg8[%parallel_loop3A_520, %parallel_loop3A_521, %parallel_loop3A_522] {strides = array<i32>} : memref<4x128x128xf32, #tpu.memory_space<vmem>>, vector<1x1x16xf32>,
      %parallel_loop3A_524 = vector.shape_cast %parallel_loop3A_523 : vector<1x1x16xf32> to vector<16xf32>
      %parallel_loop3A_525 = vector.shape_cast %parallel_loop3A_518 : vector<16xf32> to vector<1x1x16xf32>
      tpu.vector_store %arg8[%parallel_loop3A_520, %parallel_loop3A_521, %parallel_loop3A_522], %parallel_loop3A_525 {strides = array<i32>} : memref<4x128x128xf32, #tpu.memory_space<vmem>>, vector<1x1x16xf32>,
      %parallel_loop3A_526 = arith.constant 1 : i32
      %parallel_loop3A_527 = arith.index_cast %parallel_loop3A_526 : i32 to index
      %parallel_loop3A_528 = arith.index_cast %parallel_loop3A_405 : i32 to index
      %parallel_loop3A_529 = arith.constant 96 : index
      %parallel_loop3A_530 = tpu.vector_load %arg7[%parallel_loop3A_527, %parallel_loop3A_528, %parallel_loop3A_529] {strides = array<i32>} : memref<3x128x128xf32, #tpu.memory_space<vmem>>, vector<1x1x16xf32>,
      %parallel_loop3A_531 = vector.shape_cast %parallel_loop3A_530 : vector<1x1x16xf32> to vector<16xf32>
      %parallel_loop3A_532 = arith.constant 1 : i32
      %parallel_loop3A_533 = arith.index_cast %parallel_loop3A_532 : i32 to index
      %parallel_loop3A_534 = arith.index_cast %parallel_loop3A_405 : i32 to index
      %parallel_loop3A_535 = arith.constant 96 : index
      %parallel_loop3A_536 = tpu.vector_load %arg8[%parallel_loop3A_533, %parallel_loop3A_534, %parallel_loop3A_535] {strides = array<i32>} : memref<4x128x128xf32, #tpu.memory_space<vmem>>, vector<1x1x16xf32>,
      %parallel_loop3A_537 = vector.shape_cast %parallel_loop3A_536 : vector<1x1x16xf32> to vector<16xf32>
      %parallel_loop3A_538 = arith.mulf %parallel_loop3A_531, %parallel_loop3A_537 : vector<16xf32>
      %parallel_loop3A_539 = arith.constant 1 : i32
      %parallel_loop3A_540 = arith.index_cast %parallel_loop3A_539 : i32 to index
      %parallel_loop3A_541 = arith.index_cast %parallel_loop3A_405 : i32 to index
      %parallel_loop3A_542 = arith.constant 96 : index
      %parallel_loop3A_543 = tpu.vector_load %arg8[%parallel_loop3A_540, %parallel_loop3A_541, %parallel_loop3A_542] {strides = array<i32>} : memref<4x128x128xf32, #tpu.memory_space<vmem>>, vector<1x1x16xf32>,
      %parallel_loop3A_544 = vector.shape_cast %parallel_loop3A_543 : vector<1x1x16xf32> to vector<16xf32>
      %parallel_loop3A_545 = vector.shape_cast %parallel_loop3A_538 : vector<16xf32> to vector<1x1x16xf32>
      tpu.vector_store %arg8[%parallel_loop3A_540, %parallel_loop3A_541, %parallel_loop3A_542], %parallel_loop3A_545 {strides = array<i32>} : memref<4x128x128xf32, #tpu.memory_space<vmem>>, vector<1x1x16xf32>,
      %parallel_loop3A_546 = arith.constant 1 : i32
      %parallel_loop3A_547 = arith.index_cast %parallel_loop3A_546 : i32 to index
      %parallel_loop3A_548 = arith.index_cast %parallel_loop3A_405 : i32 to index
      %parallel_loop3A_549 = arith.constant 112 : index
      %parallel_loop3A_550 = tpu.vector_load %arg7[%parallel_loop3A_547, %parallel_loop3A_548, %parallel_loop3A_549] {strides = array<i32>} : memref<3x128x128xf32, #tpu.memory_space<vmem>>, vector<1x1x16xf32>,
      %parallel_loop3A_551 = vector.shape_cast %parallel_loop3A_550 : vector<1x1x16xf32> to vector<16xf32>
      %parallel_loop3A_552 = arith.constant 1 : i32
      %parallel_loop3A_553 = arith.index_cast %parallel_loop3A_552 : i32 to index
      %parallel_loop3A_554 = arith.index_cast %parallel_loop3A_405 : i32 to index
      %parallel_loop3A_555 = arith.constant 112 : index
      %parallel_loop3A_556 = tpu.vector_load %arg8[%parallel_loop3A_553, %parallel_loop3A_554, %parallel_loop3A_555] {strides = array<i32>} : memref<4x128x128xf32, #tpu.memory_space<vmem>>, vector<1x1x16xf32>,
      %parallel_loop3A_557 = vector.shape_cast %parallel_loop3A_556 : vector<1x1x16xf32> to vector<16xf32>
      %parallel_loop3A_558 = arith.mulf %parallel_loop3A_551, %parallel_loop3A_557 : vector<16xf32>
      %parallel_loop3A_559 = arith.constant 1 : i32
      %parallel_loop3A_560 = arith.index_cast %parallel_loop3A_559 : i32 to index
      %parallel_loop3A_561 = arith.index_cast %parallel_loop3A_405 : i32 to index
      %parallel_loop3A_562 = arith.constant 112 : index
      %parallel_loop3A_563 = tpu.vector_load %arg8[%parallel_loop3A_560, %parallel_loop3A_561, %parallel_loop3A_562] {strides = array<i32>} : memref<4x128x128xf32, #tpu.memory_space<vmem>>, vector<1x1x16xf32>,
      %parallel_loop3A_564 = vector.shape_cast %parallel_loop3A_563 : vector<1x1x16xf32> to vector<16xf32>
      %parallel_loop3A_565 = vector.shape_cast %parallel_loop3A_558 : vector<16xf32> to vector<1x1x16xf32>
      tpu.vector_store %arg8[%parallel_loop3A_560, %parallel_loop3A_561, %parallel_loop3A_562], %parallel_loop3A_565 {strides = array<i32>} : memref<4x128x128xf32, #tpu.memory_space<vmem>>, vector<1x1x16xf32>,
    } {sc.loop_unroll_factor = 1 : i64, sc.parallel_access}
    %add3A_205 = arith.constant 128 : i32
    %add3A_206 = arith.addi %mul3A_2, %add3A_205 : i32
    %add3A_207 = arith.constant 0 : i32
    %add3A_208 = arith.addi %add3A_206, %add3A_207 : i32
    %dma_start3A_209 = arith.constant 1 : i32
    %dma_start3A_210 = arith.constant 0 : i32
    %dma_start3A_211 = arith.constant 0 : i32
    %dma_start3A_212 = tpu.memref_slice %arg8[%dma_start3A_209, %dma_start3A_210, %dma_start3A_211] : memref<4x128x128xf32, #tpu.memory_space<vmem>> -> memref<1x128x128xf32, #tpu.memory_space<vmem>>
    %dma_start3A_213 = tpu.memref_squeeze %dma_start3A_212 : memref<1x128x128xf32, #tpu.memory_space<vmem>> -> memref<128x128xf32, #tpu.memory_space<vmem>>
    %dma_start3A_214 = arith.constant 0 : i32
    %dma_start3A_215 = tpu.memref_slice %arg5[%add3A_208, %dma_start3A_214] : memref<16384x128xf32, #tpu.memory_space<hbm>> -> memref<128x128xf32, #tpu.memory_space<hbm>>
    %dma_start3A_216 = arith.constant 0 : i32
    %dma_start3A_217 = tpu.memref_slice %arg5[%add3A_208, %dma_start3A_216] : memref<16384x128xf32, #tpu.memory_space<hbm>> -> memref<128x128xf32, #tpu.memory_space<hbm>>
    %dma_start3A_218 = arith.constant 0 : i32
    %dma_start3A_219 = arith.constant 0 : i32
    %dma_start3A_220 = tpu.memref_slice %arg8[%dma_start3A_209, %dma_start3A_218, %dma_start3A_219] : memref<4x128x128xf32, #tpu.memory_space<vmem>> -> memref<1x128x128xf32, #tpu.memory_space<vmem>>
    %dma_start3A_221 = tpu.memref_squeeze %dma_start3A_220 : memref<1x128x128xf32, #tpu.memory_space<vmem>> -> memref<128x128xf32, #tpu.memory_space<vmem>>
    tpu.enqueue_dma source(%dma_start3A_221 : memref<128x128xf32, #tpu.memory_space<vmem>>) target(%dma_start3A_217 : memref<128x128xf32, #tpu.memory_space<hbm>>) target_semaphore(%arg11 : memref<!tpu.dma_semaphore, #tpu.memory_space<semaphore_mem>>)
    %dma_wait3A_222 = arith.constant 2 : i32
    %dma_wait3A_223 = arith.constant 2 : i32
    %dma_wait3A_224 = arith.constant 0 : i32
    %dma_wait3A_225 = arith.constant 0 : i32
    %dma_wait3A_226 = tpu.memref_slice %arg7[%dma_wait3A_222, %dma_wait3A_224, %dma_wait3A_225] : memref<3x128x128xf32, #tpu.memory_space<vmem>> -> memref<1x128x128xf32, #tpu.memory_space<vmem>>
    %dma_wait3A_227 = tpu.memref_squeeze %dma_wait3A_226 : memref<1x128x128xf32, #tpu.memory_space<vmem>> -> memref<128x128xf32, #tpu.memory_space<vmem>>
    %dma_wait3A_228 = arith.constant 256 : i32
    %dma_wait3A_229 = tpu.memref_slice %arg6[%dma_wait3A_228] : memref<512xi32, #tpu.memory_space<vmem>> -> memref<128xi32, #tpu.memory_space<vmem>>
    %dma_wait3A_230 = arith.constant 0 : i32
    %dma_wait3A_231 = arith.constant 0 : i32
    %dma_wait3A_232 = tpu.memref_slice %arg2[%dma_wait3A_230, %dma_wait3A_231] : memref<100000x128xf32, #tpu.memory_space<hbm>> -> memref<100000x128xf32, #tpu.memory_space<hbm>>
    %dma_wait3A_233 = tpu.memref_slice %arg9[%dma_wait3A_223] : memref<3x!tpu.dma_semaphore, #tpu.memory_space<semaphore_mem>> -> memref<1x!tpu.dma_semaphore, #tpu.memory_space<semaphore_mem>>
    %dma_wait3A_234 = tpu.memref_squeeze %dma_wait3A_233 : memref<1x!tpu.dma_semaphore, #tpu.memory_space<semaphore_mem>> -> memref<!tpu.dma_semaphore, #tpu.memory_space<semaphore_mem>>
    tpu.wait_indirect_dma semaphore(%dma_wait3A_234 : memref<!tpu.dma_semaphore, #tpu.memory_space<semaphore_mem>>) src(%dma_wait3A_232 : memref<100000x128xf32, #tpu.memory_space<hbm>>) dst(%dma_wait3A_227 : memref<128x128xf32, #tpu.memory_space<vmem>>)
    %dma_wait3A_235 = arith.constant 2 : i32
    %dma_wait3A_236 = arith.constant 2 : i32
    %dma_wait3A_237 = arith.constant 0 : i32
    %dma_wait3A_238 = arith.constant 0 : i32
    %dma_wait3A_239 = tpu.memref_slice %arg8[%dma_wait3A_235, %dma_wait3A_237, %dma_wait3A_238] : memref<4x128x128xf32, #tpu.memory_space<vmem>> -> memref<1x128x128xf32, #tpu.memory_space<vmem>>
    %dma_wait3A_240 = tpu.memref_squeeze %dma_wait3A_239 : memref<1x128x128xf32, #tpu.memory_space<vmem>> -> memref<128x128xf32, #tpu.memory_space<vmem>>
    %dma_wait3A_241 = arith.constant 0 : i32
    %dma_wait3A_242 = tpu.memref_slice %arg3[%add3A_78, %dma_wait3A_241] : memref<16384x128xf32, #tpu.memory_space<hbm>> -> memref<128x128xf32, #tpu.memory_space<hbm>>
    %dma_wait3A_243 = tpu.memref_slice %arg10[%dma_wait3A_236] : memref<4x!tpu.dma_semaphore, #tpu.memory_space<semaphore_mem>> -> memref<1x!tpu.dma_semaphore, #tpu.memory_space<semaphore_mem>>
    %dma_wait3A_244 = tpu.memref_squeeze %dma_wait3A_243 : memref<1x!tpu.dma_semaphore, #tpu.memory_space<semaphore_mem>> -> memref<!tpu.dma_semaphore, #tpu.memory_space<semaphore_mem>>
    %dma_wait3A_245 = arith.constant 0 : i32
    %dma_wait3A_246 = arith.constant 0 : i32
    %dma_wait3A_247 = tpu.memref_slice %arg8[%dma_wait3A_235, %dma_wait3A_245, %dma_wait3A_246] : memref<4x128x128xf32, #tpu.memory_space<vmem>> -> memref<1x128x128xf32, #tpu.memory_space<vmem>>
    %dma_wait3A_248 = tpu.memref_squeeze %dma_wait3A_247 : memref<1x128x128xf32, #tpu.memory_space<vmem>> -> memref<128x128xf32, #tpu.memory_space<vmem>>
    %dma_wait3A_249 = arith.constant 0 : i32
    %dma_wait3A_250 = tpu.memref_slice %arg3[%add3A_78, %dma_wait3A_249] : memref<16384x128xf32, #tpu.memory_space<hbm>> -> memref<128x128xf32, #tpu.memory_space<hbm>>
    tpu.wait_dma2 semaphore(%dma_wait3A_244 : memref<!tpu.dma_semaphore, #tpu.memory_space<semaphore_mem>>) src(%dma_wait3A_250 : memref<128x128xf32, #tpu.memory_space<hbm>>) dst(%dma_wait3A_248 : memref<128x128xf32, #tpu.memory_space<vmem>>)
    %parallel_loop3A_251 = arith.constant 0 : i32
    %parallel_loop3A_252 = arith.constant 128 : i32
    %parallel_loop3A_253 = arith.constant 1 : i32
    scf.for %parallel_loop3A_405 = %parallel_loop3A_251 to %parallel_loop3A_252 step %parallel_loop3A_253  : i32 {
      %parallel_loop3A_406 = arith.constant 2 : i32
      %parallel_loop3A_407 = arith.index_cast %parallel_loop3A_406 : i32 to index
      %parallel_loop3A_408 = arith.index_cast %parallel_loop3A_405 : i32 to index
      %parallel_loop3A_409 = arith.constant 0 : index
      %parallel_loop3A_410 = tpu.vector_load %arg7[%parallel_loop3A_407, %parallel_loop3A_408, %parallel_loop3A_409] {strides = array<i32>} : memref<3x128x128xf32, #tpu.memory_space<vmem>>, vector<1x1x16xf32>,
      %parallel_loop3A_411 = vector.shape_cast %parallel_loop3A_410 : vector<1x1x16xf32> to vector<16xf32>
      %parallel_loop3A_412 = arith.constant 2 : i32
      %parallel_loop3A_413 = arith.index_cast %parallel_loop3A_412 : i32 to index
      %parallel_loop3A_414 = arith.index_cast %parallel_loop3A_405 : i32 to index
      %parallel_loop3A_415 = arith.constant 0 : index
      %parallel_loop3A_416 = tpu.vector_load %arg8[%parallel_loop3A_413, %parallel_loop3A_414, %parallel_loop3A_415] {strides = array<i32>} : memref<4x128x128xf32, #tpu.memory_space<vmem>>, vector<1x1x16xf32>,
      %parallel_loop3A_417 = vector.shape_cast %parallel_loop3A_416 : vector<1x1x16xf32> to vector<16xf32>
      %parallel_loop3A_418 = arith.mulf %parallel_loop3A_411, %parallel_loop3A_417 : vector<16xf32>
      %parallel_loop3A_419 = arith.constant 2 : i32
      %parallel_loop3A_420 = arith.index_cast %parallel_loop3A_419 : i32 to index
      %parallel_loop3A_421 = arith.index_cast %parallel_loop3A_405 : i32 to index
      %parallel_loop3A_422 = arith.constant 0 : index
      %parallel_loop3A_423 = tpu.vector_load %arg8[%parallel_loop3A_420, %parallel_loop3A_421, %parallel_loop3A_422] {strides = array<i32>} : memref<4x128x128xf32, #tpu.memory_space<vmem>>, vector<1x1x16xf32>,
      %parallel_loop3A_424 = vector.shape_cast %parallel_loop3A_423 : vector<1x1x16xf32> to vector<16xf32>
      %parallel_loop3A_425 = vector.shape_cast %parallel_loop3A_418 : vector<16xf32> to vector<1x1x16xf32>
      tpu.vector_store %arg8[%parallel_loop3A_420, %parallel_loop3A_421, %parallel_loop3A_422], %parallel_loop3A_425 {strides = array<i32>} : memref<4x128x128xf32, #tpu.memory_space<vmem>>, vector<1x1x16xf32>,
      %parallel_loop3A_426 = arith.constant 2 : i32
      %parallel_loop3A_427 = arith.index_cast %parallel_loop3A_426 : i32 to index
      %parallel_loop3A_428 = arith.index_cast %parallel_loop3A_405 : i32 to index
      %parallel_loop3A_429 = arith.constant 16 : index
      %parallel_loop3A_430 = tpu.vector_load %arg7[%parallel_loop3A_427, %parallel_loop3A_428, %parallel_loop3A_429] {strides = array<i32>} : memref<3x128x128xf32, #tpu.memory_space<vmem>>, vector<1x1x16xf32>,
      %parallel_loop3A_431 = vector.shape_cast %parallel_loop3A_430 : vector<1x1x16xf32> to vector<16xf32>
      %parallel_loop3A_432 = arith.constant 2 : i32
      %parallel_loop3A_433 = arith.index_cast %parallel_loop3A_432 : i32 to index
      %parallel_loop3A_434 = arith.index_cast %parallel_loop3A_405 : i32 to index
      %parallel_loop3A_435 = arith.constant 16 : index
      %parallel_loop3A_436 = tpu.vector_load %arg8[%parallel_loop3A_433, %parallel_loop3A_434, %parallel_loop3A_435] {strides = array<i32>} : memref<4x128x128xf32, #tpu.memory_space<vmem>>, vector<1x1x16xf32>,
      %parallel_loop3A_437 = vector.shape_cast %parallel_loop3A_436 : vector<1x1x16xf32> to vector<16xf32>
      %parallel_loop3A_438 = arith.mulf %parallel_loop3A_431, %parallel_loop3A_437 : vector<16xf32>
      %parallel_loop3A_439 = arith.constant 2 : i32
      %parallel_loop3A_440 = arith.index_cast %parallel_loop3A_439 : i32 to index
      %parallel_loop3A_441 = arith.index_cast %parallel_loop3A_405 : i32 to index
      %parallel_loop3A_442 = arith.constant 16 : index
      %parallel_loop3A_443 = tpu.vector_load %arg8[%parallel_loop3A_440, %parallel_loop3A_441, %parallel_loop3A_442] {strides = array<i32>} : memref<4x128x128xf32, #tpu.memory_space<vmem>>, vector<1x1x16xf32>,
      %parallel_loop3A_444 = vector.shape_cast %parallel_loop3A_443 : vector<1x1x16xf32> to vector<16xf32>
      %parallel_loop3A_445 = vector.shape_cast %parallel_loop3A_438 : vector<16xf32> to vector<1x1x16xf32>
      tpu.vector_store %arg8[%parallel_loop3A_440, %parallel_loop3A_441, %parallel_loop3A_442], %parallel_loop3A_445 {strides = array<i32>} : memref<4x128x128xf32, #tpu.memory_space<vmem>>, vector<1x1x16xf32>,
      %parallel_loop3A_446 = arith.constant 2 : i32
      %parallel_loop3A_447 = arith.index_cast %parallel_loop3A_446 : i32 to index
      %parallel_loop3A_448 = arith.index_cast %parallel_loop3A_405 : i32 to index
      %parallel_loop3A_449 = arith.constant 32 : index
      %parallel_loop3A_450 = tpu.vector_load %arg7[%parallel_loop3A_447, %parallel_loop3A_448, %parallel_loop3A_449] {strides = array<i32>} : memref<3x128x128xf32, #tpu.memory_space<vmem>>, vector<1x1x16xf32>,
      %parallel_loop3A_451 = vector.shape_cast %parallel_loop3A_450 : vector<1x1x16xf32> to vector<16xf32>
      %parallel_loop3A_452 = arith.constant 2 : i32
      %parallel_loop3A_453 = arith.index_cast %parallel_loop3A_452 : i32 to index
      %parallel_loop3A_454 = arith.index_cast %parallel_loop3A_405 : i32 to index
      %parallel_loop3A_455 = arith.constant 32 : index
      %parallel_loop3A_456 = tpu.vector_load %arg8[%parallel_loop3A_453, %parallel_loop3A_454, %parallel_loop3A_455] {strides = array<i32>} : memref<4x128x128xf32, #tpu.memory_space<vmem>>, vector<1x1x16xf32>,
      %parallel_loop3A_457 = vector.shape_cast %parallel_loop3A_456 : vector<1x1x16xf32> to vector<16xf32>
      %parallel_loop3A_458 = arith.mulf %parallel_loop3A_451, %parallel_loop3A_457 : vector<16xf32>
      %parallel_loop3A_459 = arith.constant 2 : i32
      %parallel_loop3A_460 = arith.index_cast %parallel_loop3A_459 : i32 to index
      %parallel_loop3A_461 = arith.index_cast %parallel_loop3A_405 : i32 to index
      %parallel_loop3A_462 = arith.constant 32 : index
      %parallel_loop3A_463 = tpu.vector_load %arg8[%parallel_loop3A_460, %parallel_loop3A_461, %parallel_loop3A_462] {strides = array<i32>} : memref<4x128x128xf32, #tpu.memory_space<vmem>>, vector<1x1x16xf32>,
      %parallel_loop3A_464 = vector.shape_cast %parallel_loop3A_463 : vector<1x1x16xf32> to vector<16xf32>
      %parallel_loop3A_465 = vector.shape_cast %parallel_loop3A_458 : vector<16xf32> to vector<1x1x16xf32>
      tpu.vector_store %arg8[%parallel_loop3A_460, %parallel_loop3A_461, %parallel_loop3A_462], %parallel_loop3A_465 {strides = array<i32>} : memref<4x128x128xf32, #tpu.memory_space<vmem>>, vector<1x1x16xf32>,
      %parallel_loop3A_466 = arith.constant 2 : i32
      %parallel_loop3A_467 = arith.index_cast %parallel_loop3A_466 : i32 to index
      %parallel_loop3A_468 = arith.index_cast %parallel_loop3A_405 : i32 to index
      %parallel_loop3A_469 = arith.constant 48 : index
      %parallel_loop3A_470 = tpu.vector_load %arg7[%parallel_loop3A_467, %parallel_loop3A_468, %parallel_loop3A_469] {strides = array<i32>} : memref<3x128x128xf32, #tpu.memory_space<vmem>>, vector<1x1x16xf32>,
      %parallel_loop3A_471 = vector.shape_cast %parallel_loop3A_470 : vector<1x1x16xf32> to vector<16xf32>
      %parallel_loop3A_472 = arith.constant 2 : i32
      %parallel_loop3A_473 = arith.index_cast %parallel_loop3A_472 : i32 to index
      %parallel_loop3A_474 = arith.index_cast %parallel_loop3A_405 : i32 to index
      %parallel_loop3A_475 = arith.constant 48 : index
      %parallel_loop3A_476 = tpu.vector_load %arg8[%parallel_loop3A_473, %parallel_loop3A_474, %parallel_loop3A_475] {strides = array<i32>} : memref<4x128x128xf32, #tpu.memory_space<vmem>>, vector<1x1x16xf32>,
      %parallel_loop3A_477 = vector.shape_cast %parallel_loop3A_476 : vector<1x1x16xf32> to vector<16xf32>
      %parallel_loop3A_478 = arith.mulf %parallel_loop3A_471, %parallel_loop3A_477 : vector<16xf32>
      %parallel_loop3A_479 = arith.constant 2 : i32
      %parallel_loop3A_480 = arith.index_cast %parallel_loop3A_479 : i32 to index
      %parallel_loop3A_481 = arith.index_cast %parallel_loop3A_405 : i32 to index
      %parallel_loop3A_482 = arith.constant 48 : index
      %parallel_loop3A_483 = tpu.vector_load %arg8[%parallel_loop3A_480, %parallel_loop3A_481, %parallel_loop3A_482] {strides = array<i32>} : memref<4x128x128xf32, #tpu.memory_space<vmem>>, vector<1x1x16xf32>,
      %parallel_loop3A_484 = vector.shape_cast %parallel_loop3A_483 : vector<1x1x16xf32> to vector<16xf32>
      %parallel_loop3A_485 = vector.shape_cast %parallel_loop3A_478 : vector<16xf32> to vector<1x1x16xf32>
      tpu.vector_store %arg8[%parallel_loop3A_480, %parallel_loop3A_481, %parallel_loop3A_482], %parallel_loop3A_485 {strides = array<i32>} : memref<4x128x128xf32, #tpu.memory_space<vmem>>, vector<1x1x16xf32>,
      %parallel_loop3A_486 = arith.constant 2 : i32
      %parallel_loop3A_487 = arith.index_cast %parallel_loop3A_486 : i32 to index
      %parallel_loop3A_488 = arith.index_cast %parallel_loop3A_405 : i32 to index
      %parallel_loop3A_489 = arith.constant 64 : index
      %parallel_loop3A_490 = tpu.vector_load %arg7[%parallel_loop3A_487, %parallel_loop3A_488, %parallel_loop3A_489] {strides = array<i32>} : memref<3x128x128xf32, #tpu.memory_space<vmem>>, vector<1x1x16xf32>,
      %parallel_loop3A_491 = vector.shape_cast %parallel_loop3A_490 : vector<1x1x16xf32> to vector<16xf32>
      %parallel_loop3A_492 = arith.constant 2 : i32
      %parallel_loop3A_493 = arith.index_cast %parallel_loop3A_492 : i32 to index
      %parallel_loop3A_494 = arith.index_cast %parallel_loop3A_405 : i32 to index
      %parallel_loop3A_495 = arith.constant 64 : index
      %parallel_loop3A_496 = tpu.vector_load %arg8[%parallel_loop3A_493, %parallel_loop3A_494, %parallel_loop3A_495] {strides = array<i32>} : memref<4x128x128xf32, #tpu.memory_space<vmem>>, vector<1x1x16xf32>,
      %parallel_loop3A_497 = vector.shape_cast %parallel_loop3A_496 : vector<1x1x16xf32> to vector<16xf32>
      %parallel_loop3A_498 = arith.mulf %parallel_loop3A_491, %parallel_loop3A_497 : vector<16xf32>
      %parallel_loop3A_499 = arith.constant 2 : i32
      %parallel_loop3A_500 = arith.index_cast %parallel_loop3A_499 : i32 to index
      %parallel_loop3A_501 = arith.index_cast %parallel_loop3A_405 : i32 to index
      %parallel_loop3A_502 = arith.constant 64 : index
      %parallel_loop3A_503 = tpu.vector_load %arg8[%parallel_loop3A_500, %parallel_loop3A_501, %parallel_loop3A_502] {strides = array<i32>} : memref<4x128x128xf32, #tpu.memory_space<vmem>>, vector<1x1x16xf32>,
      %parallel_loop3A_504 = vector.shape_cast %parallel_loop3A_503 : vector<1x1x16xf32> to vector<16xf32>
      %parallel_loop3A_505 = vector.shape_cast %parallel_loop3A_498 : vector<16xf32> to vector<1x1x16xf32>
      tpu.vector_store %arg8[%parallel_loop3A_500, %parallel_loop3A_501, %parallel_loop3A_502], %parallel_loop3A_505 {strides = array<i32>} : memref<4x128x128xf32, #tpu.memory_space<vmem>>, vector<1x1x16xf32>,
      %parallel_loop3A_506 = arith.constant 2 : i32
      %parallel_loop3A_507 = arith.index_cast %parallel_loop3A_506 : i32 to index
      %parallel_loop3A_508 = arith.index_cast %parallel_loop3A_405 : i32 to index
      %parallel_loop3A_509 = arith.constant 80 : index
      %parallel_loop3A_510 = tpu.vector_load %arg7[%parallel_loop3A_507, %parallel_loop3A_508, %parallel_loop3A_509] {strides = array<i32>} : memref<3x128x128xf32, #tpu.memory_space<vmem>>, vector<1x1x16xf32>,
      %parallel_loop3A_511 = vector.shape_cast %parallel_loop3A_510 : vector<1x1x16xf32> to vector<16xf32>
      %parallel_loop3A_512 = arith.constant 2 : i32
      %parallel_loop3A_513 = arith.index_cast %parallel_loop3A_512 : i32 to index
      %parallel_loop3A_514 = arith.index_cast %parallel_loop3A_405 : i32 to index
      %parallel_loop3A_515 = arith.constant 80 : index
      %parallel_loop3A_516 = tpu.vector_load %arg8[%parallel_loop3A_513, %parallel_loop3A_514, %parallel_loop3A_515] {strides = array<i32>} : memref<4x128x128xf32, #tpu.memory_space<vmem>>, vector<1x1x16xf32>,
      %parallel_loop3A_517 = vector.shape_cast %parallel_loop3A_516 : vector<1x1x16xf32> to vector<16xf32>
      %parallel_loop3A_518 = arith.mulf %parallel_loop3A_511, %parallel_loop3A_517 : vector<16xf32>
      %parallel_loop3A_519 = arith.constant 2 : i32
      %parallel_loop3A_520 = arith.index_cast %parallel_loop3A_519 : i32 to index
      %parallel_loop3A_521 = arith.index_cast %parallel_loop3A_405 : i32 to index
      %parallel_loop3A_522 = arith.constant 80 : index
      %parallel_loop3A_523 = tpu.vector_load %arg8[%parallel_loop3A_520, %parallel_loop3A_521, %parallel_loop3A_522] {strides = array<i32>} : memref<4x128x128xf32, #tpu.memory_space<vmem>>, vector<1x1x16xf32>,
      %parallel_loop3A_524 = vector.shape_cast %parallel_loop3A_523 : vector<1x1x16xf32> to vector<16xf32>
      %parallel_loop3A_525 = vector.shape_cast %parallel_loop3A_518 : vector<16xf32> to vector<1x1x16xf32>
      tpu.vector_store %arg8[%parallel_loop3A_520, %parallel_loop3A_521, %parallel_loop3A_522], %parallel_loop3A_525 {strides = array<i32>} : memref<4x128x128xf32, #tpu.memory_space<vmem>>, vector<1x1x16xf32>,
      %parallel_loop3A_526 = arith.constant 2 : i32
      %parallel_loop3A_527 = arith.index_cast %parallel_loop3A_526 : i32 to index
      %parallel_loop3A_528 = arith.index_cast %parallel_loop3A_405 : i32 to index
      %parallel_loop3A_529 = arith.constant 96 : index
      %parallel_loop3A_530 = tpu.vector_load %arg7[%parallel_loop3A_527, %parallel_loop3A_528, %parallel_loop3A_529] {strides = array<i32>} : memref<3x128x128xf32, #tpu.memory_space<vmem>>, vector<1x1x16xf32>,
      %parallel_loop3A_531 = vector.shape_cast %parallel_loop3A_530 : vector<1x1x16xf32> to vector<16xf32>
      %parallel_loop3A_532 = arith.constant 2 : i32
      %parallel_loop3A_533 = arith.index_cast %parallel_loop3A_532 : i32 to index
      %parallel_loop3A_534 = arith.index_cast %parallel_loop3A_405 : i32 to index
      %parallel_loop3A_535 = arith.constant 96 : index
      %parallel_loop3A_536 = tpu.vector_load %arg8[%parallel_loop3A_533, %parallel_loop3A_534, %parallel_loop3A_535] {strides = array<i32>} : memref<4x128x128xf32, #tpu.memory_space<vmem>>, vector<1x1x16xf32>,
      %parallel_loop3A_537 = vector.shape_cast %parallel_loop3A_536 : vector<1x1x16xf32> to vector<16xf32>
      %parallel_loop3A_538 = arith.mulf %parallel_loop3A_531, %parallel_loop3A_537 : vector<16xf32>
      %parallel_loop3A_539 = arith.constant 2 : i32
      %parallel_loop3A_540 = arith.index_cast %parallel_loop3A_539 : i32 to index
      %parallel_loop3A_541 = arith.index_cast %parallel_loop3A_405 : i32 to index
      %parallel_loop3A_542 = arith.constant 96 : index
      %parallel_loop3A_543 = tpu.vector_load %arg8[%parallel_loop3A_540, %parallel_loop3A_541, %parallel_loop3A_542] {strides = array<i32>} : memref<4x128x128xf32, #tpu.memory_space<vmem>>, vector<1x1x16xf32>,
      %parallel_loop3A_544 = vector.shape_cast %parallel_loop3A_543 : vector<1x1x16xf32> to vector<16xf32>
      %parallel_loop3A_545 = vector.shape_cast %parallel_loop3A_538 : vector<16xf32> to vector<1x1x16xf32>
      tpu.vector_store %arg8[%parallel_loop3A_540, %parallel_loop3A_541, %parallel_loop3A_542], %parallel_loop3A_545 {strides = array<i32>} : memref<4x128x128xf32, #tpu.memory_space<vmem>>, vector<1x1x16xf32>,
      %parallel_loop3A_546 = arith.constant 2 : i32
      %parallel_loop3A_547 = arith.index_cast %parallel_loop3A_546 : i32 to index
      %parallel_loop3A_548 = arith.index_cast %parallel_loop3A_405 : i32 to index
      %parallel_loop3A_549 = arith.constant 112 : index
      %parallel_loop3A_550 = tpu.vector_load %arg7[%parallel_loop3A_547, %parallel_loop3A_548, %parallel_loop3A_549] {strides = array<i32>} : memref<3x128x128xf32, #tpu.memory_space<vmem>>, vector<1x1x16xf32>,
      %parallel_loop3A_551 = vector.shape_cast %parallel_loop3A_550 : vector<1x1x16xf32> to vector<16xf32>
      %parallel_loop3A_552 = arith.constant 2 : i32
      %parallel_loop3A_553 = arith.index_cast %parallel_loop3A_552 : i32 to index
      %parallel_loop3A_554 = arith.index_cast %parallel_loop3A_405 : i32 to index
      %parallel_loop3A_555 = arith.constant 112 : index
      %parallel_loop3A_556 = tpu.vector_load %arg8[%parallel_loop3A_553, %parallel_loop3A_554, %parallel_loop3A_555] {strides = array<i32>} : memref<4x128x128xf32, #tpu.memory_space<vmem>>, vector<1x1x16xf32>,
      %parallel_loop3A_557 = vector.shape_cast %parallel_loop3A_556 : vector<1x1x16xf32> to vector<16xf32>
      %parallel_loop3A_558 = arith.mulf %parallel_loop3A_551, %parallel_loop3A_557 : vector<16xf32>
      %parallel_loop3A_559 = arith.constant 2 : i32
      %parallel_loop3A_560 = arith.index_cast %parallel_loop3A_559 : i32 to index
      %parallel_loop3A_561 = arith.index_cast %parallel_loop3A_405 : i32 to index
      %parallel_loop3A_562 = arith.constant 112 : index
      %parallel_loop3A_563 = tpu.vector_load %arg8[%parallel_loop3A_560, %parallel_loop3A_561, %parallel_loop3A_562] {strides = array<i32>} : memref<4x128x128xf32, #tpu.memory_space<vmem>>, vector<1x1x16xf32>,
      %parallel_loop3A_564 = vector.shape_cast %parallel_loop3A_563 : vector<1x1x16xf32> to vector<16xf32>
      %parallel_loop3A_565 = vector.shape_cast %parallel_loop3A_558 : vector<16xf32> to vector<1x1x16xf32>
      tpu.vector_store %arg8[%parallel_loop3A_560, %parallel_loop3A_561, %parallel_loop3A_562], %parallel_loop3A_565 {strides = array<i32>} : memref<4x128x128xf32, #tpu.memory_space<vmem>>, vector<1x1x16xf32>,
    } {sc.loop_unroll_factor = 1 : i64, sc.parallel_access}
    %add3A_254 = arith.constant 256 : i32
    %add3A_255 = arith.addi %mul3A_2, %add3A_254 : i32
    %add3A_256 = arith.constant 0 : i32
    %add3A_257 = arith.addi %add3A_255, %add3A_256 : i32
    %dma_start3A_258 = arith.constant 2 : i32
    %dma_start3A_259 = arith.constant 0 : i32
    %dma_start3A_260 = arith.constant 0 : i32
    %dma_start3A_261 = tpu.memref_slice %arg8[%dma_start3A_258, %dma_start3A_259, %dma_start3A_260] : memref<4x128x128xf32, #tpu.memory_space<vmem>> -> memref<1x128x128xf32, #tpu.memory_space<vmem>>
    %dma_start3A_262 = tpu.memref_squeeze %dma_start3A_261 : memref<1x128x128xf32, #tpu.memory_space<vmem>> -> memref<128x128xf32, #tpu.memory_space<vmem>>
    %dma_start3A_263 = arith.constant 0 : i32
    %dma_start3A_264 = tpu.memref_slice %arg5[%add3A_257, %dma_start3A_263] : memref<16384x128xf32, #tpu.memory_space<hbm>> -> memref<128x128xf32, #tpu.memory_space<hbm>>
    %dma_start3A_265 = arith.constant 0 : i32
    %dma_start3A_266 = tpu.memref_slice %arg5[%add3A_257, %dma_start3A_265] : memref<16384x128xf32, #tpu.memory_space<hbm>> -> memref<128x128xf32, #tpu.memory_space<hbm>>
    %dma_start3A_267 = arith.constant 0 : i32
    %dma_start3A_268 = arith.constant 0 : i32
    %dma_start3A_269 = tpu.memref_slice %arg8[%dma_start3A_258, %dma_start3A_267, %dma_start3A_268] : memref<4x128x128xf32, #tpu.memory_space<vmem>> -> memref<1x128x128xf32, #tpu.memory_space<vmem>>
    %dma_start3A_270 = tpu.memref_squeeze %dma_start3A_269 : memref<1x128x128xf32, #tpu.memory_space<vmem>> -> memref<128x128xf32, #tpu.memory_space<vmem>>
    tpu.enqueue_dma source(%dma_start3A_270 : memref<128x128xf32, #tpu.memory_space<vmem>>) target(%dma_start3A_266 : memref<128x128xf32, #tpu.memory_space<hbm>>) target_semaphore(%arg11 : memref<!tpu.dma_semaphore, #tpu.memory_space<semaphore_mem>>)
    %dma_wait3A_271 = arith.constant 0 : i32
    %dma_wait3A_272 = arith.constant 0 : i32
    %dma_wait3A_273 = arith.constant 0 : i32
    %dma_wait3A_274 = arith.constant 0 : i32
    %dma_wait3A_275 = tpu.memref_slice %arg7[%dma_wait3A_271, %dma_wait3A_273, %dma_wait3A_274] : memref<3x128x128xf32, #tpu.memory_space<vmem>> -> memref<1x128x128xf32, #tpu.memory_space<vmem>>
    %dma_wait3A_276 = tpu.memref_squeeze %dma_wait3A_275 : memref<1x128x128xf32, #tpu.memory_space<vmem>> -> memref<128x128xf32, #tpu.memory_space<vmem>>
    %dma_wait3A_277 = arith.constant 384 : i32
    %dma_wait3A_278 = tpu.memref_slice %arg6[%dma_wait3A_277] : memref<512xi32, #tpu.memory_space<vmem>> -> memref<128xi32, #tpu.memory_space<vmem>>
    %dma_wait3A_279 = arith.constant 0 : i32
    %dma_wait3A_280 = arith.constant 0 : i32
    %dma_wait3A_281 = tpu.memref_slice %arg2[%dma_wait3A_279, %dma_wait3A_280] : memref<100000x128xf32, #tpu.memory_space<hbm>> -> memref<100000x128xf32, #tpu.memory_space<hbm>>
    %dma_wait3A_282 = tpu.memref_slice %arg9[%dma_wait3A_272] : memref<3x!tpu.dma_semaphore, #tpu.memory_space<semaphore_mem>> -> memref<1x!tpu.dma_semaphore, #tpu.memory_space<semaphore_mem>>
    %dma_wait3A_283 = tpu.memref_squeeze %dma_wait3A_282 : memref<1x!tpu.dma_semaphore, #tpu.memory_space<semaphore_mem>> -> memref<!tpu.dma_semaphore, #tpu.memory_space<semaphore_mem>>
    tpu.wait_indirect_dma semaphore(%dma_wait3A_283 : memref<!tpu.dma_semaphore, #tpu.memory_space<semaphore_mem>>) src(%dma_wait3A_281 : memref<100000x128xf32, #tpu.memory_space<hbm>>) dst(%dma_wait3A_276 : memref<128x128xf32, #tpu.memory_space<vmem>>)
    %dma_wait3A_284 = arith.constant 3 : i32
    %dma_wait3A_285 = arith.constant 3 : i32
    %dma_wait3A_286 = arith.constant 0 : i32
    %dma_wait3A_287 = arith.constant 0 : i32
    %dma_wait3A_288 = tpu.memref_slice %arg8[%dma_wait3A_284, %dma_wait3A_286, %dma_wait3A_287] : memref<4x128x128xf32, #tpu.memory_space<vmem>> -> memref<1x128x128xf32, #tpu.memory_space<vmem>>
    %dma_wait3A_289 = tpu.memref_squeeze %dma_wait3A_288 : memref<1x128x128xf32, #tpu.memory_space<vmem>> -> memref<128x128xf32, #tpu.memory_space<vmem>>
    %dma_wait3A_290 = arith.constant 0 : i32
    %dma_wait3A_291 = tpu.memref_slice %arg3[%add3A_96, %dma_wait3A_290] : memref<16384x128xf32, #tpu.memory_space<hbm>> -> memref<128x128xf32, #tpu.memory_space<hbm>>
    %dma_wait3A_292 = tpu.memref_slice %arg10[%dma_wait3A_285] : memref<4x!tpu.dma_semaphore, #tpu.memory_space<semaphore_mem>> -> memref<1x!tpu.dma_semaphore, #tpu.memory_space<semaphore_mem>>
    %dma_wait3A_293 = tpu.memref_squeeze %dma_wait3A_292 : memref<1x!tpu.dma_semaphore, #tpu.memory_space<semaphore_mem>> -> memref<!tpu.dma_semaphore, #tpu.memory_space<semaphore_mem>>
    %dma_wait3A_294 = arith.constant 0 : i32
    %dma_wait3A_295 = arith.constant 0 : i32
    %dma_wait3A_296 = tpu.memref_slice %arg8[%dma_wait3A_284, %dma_wait3A_294, %dma_wait3A_295] : memref<4x128x128xf32, #tpu.memory_space<vmem>> -> memref<1x128x128xf32, #tpu.memory_space<vmem>>
    %dma_wait3A_297 = tpu.memref_squeeze %dma_wait3A_296 : memref<1x128x128xf32, #tpu.memory_space<vmem>> -> memref<128x128xf32, #tpu.memory_space<vmem>>
    %dma_wait3A_298 = arith.constant 0 : i32
    %dma_wait3A_299 = tpu.memref_slice %arg3[%add3A_96, %dma_wait3A_298] : memref<16384x128xf32, #tpu.memory_space<hbm>> -> memref<128x128xf32, #tpu.memory_space<hbm>>
    tpu.wait_dma2 semaphore(%dma_wait3A_293 : memref<!tpu.dma_semaphore, #tpu.memory_space<semaphore_mem>>) src(%dma_wait3A_299 : memref<128x128xf32, #tpu.memory_space<hbm>>) dst(%dma_wait3A_297 : memref<128x128xf32, #tpu.memory_space<vmem>>)
    %parallel_loop3A_300 = arith.constant 0 : i32
    %parallel_loop3A_301 = arith.constant 64 : i32
    %parallel_loop3A_302 = arith.constant 1 : i32
    scf.for %parallel_loop3A_405 = %parallel_loop3A_300 to %parallel_loop3A_301 step %parallel_loop3A_302  : i32 {
      %parallel_loop3A_406 = arith.constant 0 : i32
      %parallel_loop3A_407 = arith.index_cast %parallel_loop3A_406 : i32 to index
      %parallel_loop3A_408 = arith.index_cast %parallel_loop3A_405 : i32 to index
      %parallel_loop3A_409 = arith.constant 0 : index
      %parallel_loop3A_410 = tpu.vector_load %arg7[%parallel_loop3A_407, %parallel_loop3A_408, %parallel_loop3A_409] {strides = array<i32>} : memref<3x128x128xf32, #tpu.memory_space<vmem>>, vector<1x1x16xf32>,
      %parallel_loop3A_411 = vector.shape_cast %parallel_loop3A_410 : vector<1x1x16xf32> to vector<16xf32>
      %parallel_loop3A_412 = arith.constant 3 : i32
      %parallel_loop3A_413 = arith.index_cast %parallel_loop3A_412 : i32 to index
      %parallel_loop3A_414 = arith.index_cast %parallel_loop3A_405 : i32 to index
      %parallel_loop3A_415 = arith.constant 0 : index
      %parallel_loop3A_416 = tpu.vector_load %arg8[%parallel_loop3A_413, %parallel_loop3A_414, %parallel_loop3A_415] {strides = array<i32>} : memref<4x128x128xf32, #tpu.memory_space<vmem>>, vector<1x1x16xf32>,
      %parallel_loop3A_417 = vector.shape_cast %parallel_loop3A_416 : vector<1x1x16xf32> to vector<16xf32>
      %parallel_loop3A_418 = arith.mulf %parallel_loop3A_411, %parallel_loop3A_417 : vector<16xf32>
      %parallel_loop3A_419 = arith.constant 3 : i32
      %parallel_loop3A_420 = arith.index_cast %parallel_loop3A_419 : i32 to index
      %parallel_loop3A_421 = arith.index_cast %parallel_loop3A_405 : i32 to index
      %parallel_loop3A_422 = arith.constant 0 : index
      %parallel_loop3A_423 = tpu.vector_load %arg8[%parallel_loop3A_420, %parallel_loop3A_421, %parallel_loop3A_422] {strides = array<i32>} : memref<4x128x128xf32, #tpu.memory_space<vmem>>, vector<1x1x16xf32>,
      %parallel_loop3A_424 = vector.shape_cast %parallel_loop3A_423 : vector<1x1x16xf32> to vector<16xf32>
      %parallel_loop3A_425 = vector.shape_cast %parallel_loop3A_418 : vector<16xf32> to vector<1x1x16xf32>
      tpu.vector_store %arg8[%parallel_loop3A_420, %parallel_loop3A_421, %parallel_loop3A_422], %parallel_loop3A_425 {strides = array<i32>} : memref<4x128x128xf32, #tpu.memory_space<vmem>>, vector<1x1x16xf32>,
      %parallel_loop3A_426 = arith.constant 0 : i32
      %parallel_loop3A_427 = arith.index_cast %parallel_loop3A_426 : i32 to index
      %parallel_loop3A_428 = arith.index_cast %parallel_loop3A_405 : i32 to index
      %parallel_loop3A_429 = arith.constant 16 : index
      %parallel_loop3A_430 = tpu.vector_load %arg7[%parallel_loop3A_427, %parallel_loop3A_428, %parallel_loop3A_429] {strides = array<i32>} : memref<3x128x128xf32, #tpu.memory_space<vmem>>, vector<1x1x16xf32>,
      %parallel_loop3A_431 = vector.shape_cast %parallel_loop3A_430 : vector<1x1x16xf32> to vector<16xf32>
      %parallel_loop3A_432 = arith.constant 3 : i32
      %parallel_loop3A_433 = arith.index_cast %parallel_loop3A_432 : i32 to index
      %parallel_loop3A_434 = arith.index_cast %parallel_loop3A_405 : i32 to index
      %parallel_loop3A_435 = arith.constant 16 : index
      %parallel_loop3A_436 = tpu.vector_load %arg8[%parallel_loop3A_433, %parallel_loop3A_434, %parallel_loop3A_435] {strides = array<i32>} : memref<4x128x128xf32, #tpu.memory_space<vmem>>, vector<1x1x16xf32>,
      %parallel_loop3A_437 = vector.shape_cast %parallel_loop3A_436 : vector<1x1x16xf32> to vector<16xf32>
      %parallel_loop3A_438 = arith.mulf %parallel_loop3A_431, %parallel_loop3A_437 : vector<16xf32>
      %parallel_loop3A_439 = arith.constant 3 : i32
      %parallel_loop3A_440 = arith.index_cast %parallel_loop3A_439 : i32 to index
      %parallel_loop3A_441 = arith.index_cast %parallel_loop3A_405 : i32 to index
      %parallel_loop3A_442 = arith.constant 16 : index
      %parallel_loop3A_443 = tpu.vector_load %arg8[%parallel_loop3A_440, %parallel_loop3A_441, %parallel_loop3A_442] {strides = array<i32>} : memref<4x128x128xf32, #tpu.memory_space<vmem>>, vector<1x1x16xf32>,
      %parallel_loop3A_444 = vector.shape_cast %parallel_loop3A_443 : vector<1x1x16xf32> to vector<16xf32>
      %parallel_loop3A_445 = vector.shape_cast %parallel_loop3A_438 : vector<16xf32> to vector<1x1x16xf32>
      tpu.vector_store %arg8[%parallel_loop3A_440, %parallel_loop3A_441, %parallel_loop3A_442], %parallel_loop3A_445 {strides = array<i32>} : memref<4x128x128xf32, #tpu.memory_space<vmem>>, vector<1x1x16xf32>,
      %parallel_loop3A_446 = arith.constant 0 : i32
      %parallel_loop3A_447 = arith.index_cast %parallel_loop3A_446 : i32 to index
      %parallel_loop3A_448 = arith.index_cast %parallel_loop3A_405 : i32 to index
      %parallel_loop3A_449 = arith.constant 32 : index
      %parallel_loop3A_450 = tpu.vector_load %arg7[%parallel_loop3A_447, %parallel_loop3A_448, %parallel_loop3A_449] {strides = array<i32>} : memref<3x128x128xf32, #tpu.memory_space<vmem>>, vector<1x1x16xf32>,
      %parallel_loop3A_451 = vector.shape_cast %parallel_loop3A_450 : vector<1x1x16xf32> to vector<16xf32>
      %parallel_loop3A_452 = arith.constant 3 : i32
      %parallel_loop3A_453 = arith.index_cast %parallel_loop3A_452 : i32 to index
      %parallel_loop3A_454 = arith.index_cast %parallel_loop3A_405 : i32 to index
      %parallel_loop3A_455 = arith.constant 32 : index
      %parallel_loop3A_456 = tpu.vector_load %arg8[%parallel_loop3A_453, %parallel_loop3A_454, %parallel_loop3A_455] {strides = array<i32>} : memref<4x128x128xf32, #tpu.memory_space<vmem>>, vector<1x1x16xf32>,
      %parallel_loop3A_457 = vector.shape_cast %parallel_loop3A_456 : vector<1x1x16xf32> to vector<16xf32>
      %parallel_loop3A_458 = arith.mulf %parallel_loop3A_451, %parallel_loop3A_457 : vector<16xf32>
      %parallel_loop3A_459 = arith.constant 3 : i32
      %parallel_loop3A_460 = arith.index_cast %parallel_loop3A_459 : i32 to index
      %parallel_loop3A_461 = arith.index_cast %parallel_loop3A_405 : i32 to index
      %parallel_loop3A_462 = arith.constant 32 : index
      %parallel_loop3A_463 = tpu.vector_load %arg8[%parallel_loop3A_460, %parallel_loop3A_461, %parallel_loop3A_462] {strides = array<i32>} : memref<4x128x128xf32, #tpu.memory_space<vmem>>, vector<1x1x16xf32>,
      %parallel_loop3A_464 = vector.shape_cast %parallel_loop3A_463 : vector<1x1x16xf32> to vector<16xf32>
      %parallel_loop3A_465 = vector.shape_cast %parallel_loop3A_458 : vector<16xf32> to vector<1x1x16xf32>
      tpu.vector_store %arg8[%parallel_loop3A_460, %parallel_loop3A_461, %parallel_loop3A_462], %parallel_loop3A_465 {strides = array<i32>} : memref<4x128x128xf32, #tpu.memory_space<vmem>>, vector<1x1x16xf32>,
      %parallel_loop3A_466 = arith.constant 0 : i32
      %parallel_loop3A_467 = arith.index_cast %parallel_loop3A_466 : i32 to index
      %parallel_loop3A_468 = arith.index_cast %parallel_loop3A_405 : i32 to index
      %parallel_loop3A_469 = arith.constant 48 : index
      %parallel_loop3A_470 = tpu.vector_load %arg7[%parallel_loop3A_467, %parallel_loop3A_468, %parallel_loop3A_469] {strides = array<i32>} : memref<3x128x128xf32, #tpu.memory_space<vmem>>, vector<1x1x16xf32>,
      %parallel_loop3A_471 = vector.shape_cast %parallel_loop3A_470 : vector<1x1x16xf32> to vector<16xf32>
      %parallel_loop3A_472 = arith.constant 3 : i32
      %parallel_loop3A_473 = arith.index_cast %parallel_loop3A_472 : i32 to index
      %parallel_loop3A_474 = arith.index_cast %parallel_loop3A_405 : i32 to index
      %parallel_loop3A_475 = arith.constant 48 : index
      %parallel_loop3A_476 = tpu.vector_load %arg8[%parallel_loop3A_473, %parallel_loop3A_474, %parallel_loop3A_475] {strides = array<i32>} : memref<4x128x128xf32, #tpu.memory_space<vmem>>, vector<1x1x16xf32>,
      %parallel_loop3A_477 = vector.shape_cast %parallel_loop3A_476 : vector<1x1x16xf32> to vector<16xf32>
      %parallel_loop3A_478 = arith.mulf %parallel_loop3A_471, %parallel_loop3A_477 : vector<16xf32>
      %parallel_loop3A_479 = arith.constant 3 : i32
      %parallel_loop3A_480 = arith.index_cast %parallel_loop3A_479 : i32 to index
      %parallel_loop3A_481 = arith.index_cast %parallel_loop3A_405 : i32 to index
      %parallel_loop3A_482 = arith.constant 48 : index
      %parallel_loop3A_483 = tpu.vector_load %arg8[%parallel_loop3A_480, %parallel_loop3A_481, %parallel_loop3A_482] {strides = array<i32>} : memref<4x128x128xf32, #tpu.memory_space<vmem>>, vector<1x1x16xf32>,
      %parallel_loop3A_484 = vector.shape_cast %parallel_loop3A_483 : vector<1x1x16xf32> to vector<16xf32>
      %parallel_loop3A_485 = vector.shape_cast %parallel_loop3A_478 : vector<16xf32> to vector<1x1x16xf32>
      tpu.vector_store %arg8[%parallel_loop3A_480, %parallel_loop3A_481, %parallel_loop3A_482], %parallel_loop3A_485 {strides = array<i32>} : memref<4x128x128xf32, #tpu.memory_space<vmem>>, vector<1x1x16xf32>,
      %parallel_loop3A_486 = arith.constant 0 : i32
      %parallel_loop3A_487 = arith.index_cast %parallel_loop3A_486 : i32 to index
      %parallel_loop3A_488 = arith.index_cast %parallel_loop3A_405 : i32 to index
      %parallel_loop3A_489 = arith.constant 64 : index
      %parallel_loop3A_490 = tpu.vector_load %arg7[%parallel_loop3A_487, %parallel_loop3A_488, %parallel_loop3A_489] {strides = array<i32>} : memref<3x128x128xf32, #tpu.memory_space<vmem>>, vector<1x1x16xf32>,
      %parallel_loop3A_491 = vector.shape_cast %parallel_loop3A_490 : vector<1x1x16xf32> to vector<16xf32>
      %parallel_loop3A_492 = arith.constant 3 : i32
      %parallel_loop3A_493 = arith.index_cast %parallel_loop3A_492 : i32 to index
      %parallel_loop3A_494 = arith.index_cast %parallel_loop3A_405 : i32 to index
      %parallel_loop3A_495 = arith.constant 64 : index
      %parallel_loop3A_496 = tpu.vector_load %arg8[%parallel_loop3A_493, %parallel_loop3A_494, %parallel_loop3A_495] {strides = array<i32>} : memref<4x128x128xf32, #tpu.memory_space<vmem>>, vector<1x1x16xf32>,
      %parallel_loop3A_497 = vector.shape_cast %parallel_loop3A_496 : vector<1x1x16xf32> to vector<16xf32>
      %parallel_loop3A_498 = arith.mulf %parallel_loop3A_491, %parallel_loop3A_497 : vector<16xf32>
      %parallel_loop3A_499 = arith.constant 3 : i32
      %parallel_loop3A_500 = arith.index_cast %parallel_loop3A_499 : i32 to index
      %parallel_loop3A_501 = arith.index_cast %parallel_loop3A_405 : i32 to index
      %parallel_loop3A_502 = arith.constant 64 : index
      %parallel_loop3A_503 = tpu.vector_load %arg8[%parallel_loop3A_500, %parallel_loop3A_501, %parallel_loop3A_502] {strides = array<i32>} : memref<4x128x128xf32, #tpu.memory_space<vmem>>, vector<1x1x16xf32>,
      %parallel_loop3A_504 = vector.shape_cast %parallel_loop3A_503 : vector<1x1x16xf32> to vector<16xf32>
      %parallel_loop3A_505 = vector.shape_cast %parallel_loop3A_498 : vector<16xf32> to vector<1x1x16xf32>
      tpu.vector_store %arg8[%parallel_loop3A_500, %parallel_loop3A_501, %parallel_loop3A_502], %parallel_loop3A_505 {strides = array<i32>} : memref<4x128x128xf32, #tpu.memory_space<vmem>>, vector<1x1x16xf32>,
      %parallel_loop3A_506 = arith.constant 0 : i32
      %parallel_loop3A_507 = arith.index_cast %parallel_loop3A_506 : i32 to index
      %parallel_loop3A_508 = arith.index_cast %parallel_loop3A_405 : i32 to index
      %parallel_loop3A_509 = arith.constant 80 : index
      %parallel_loop3A_510 = tpu.vector_load %arg7[%parallel_loop3A_507, %parallel_loop3A_508, %parallel_loop3A_509] {strides = array<i32>} : memref<3x128x128xf32, #tpu.memory_space<vmem>>, vector<1x1x16xf32>,
      %parallel_loop3A_511 = vector.shape_cast %parallel_loop3A_510 : vector<1x1x16xf32> to vector<16xf32>
      %parallel_loop3A_512 = arith.constant 3 : i32
      %parallel_loop3A_513 = arith.index_cast %parallel_loop3A_512 : i32 to index
      %parallel_loop3A_514 = arith.index_cast %parallel_loop3A_405 : i32 to index
      %parallel_loop3A_515 = arith.constant 80 : index
      %parallel_loop3A_516 = tpu.vector_load %arg8[%parallel_loop3A_513, %parallel_loop3A_514, %parallel_loop3A_515] {strides = array<i32>} : memref<4x128x128xf32, #tpu.memory_space<vmem>>, vector<1x1x16xf32>,
      %parallel_loop3A_517 = vector.shape_cast %parallel_loop3A_516 : vector<1x1x16xf32> to vector<16xf32>
      %parallel_loop3A_518 = arith.mulf %parallel_loop3A_511, %parallel_loop3A_517 : vector<16xf32>
      %parallel_loop3A_519 = arith.constant 3 : i32
      %parallel_loop3A_520 = arith.index_cast %parallel_loop3A_519 : i32 to index
      %parallel_loop3A_521 = arith.index_cast %parallel_loop3A_405 : i32 to index
      %parallel_loop3A_522 = arith.constant 80 : index
      %parallel_loop3A_523 = tpu.vector_load %arg8[%parallel_loop3A_520, %parallel_loop3A_521, %parallel_loop3A_522] {strides = array<i32>} : memref<4x128x128xf32, #tpu.memory_space<vmem>>, vector<1x1x16xf32>,
      %parallel_loop3A_524 = vector.shape_cast %parallel_loop3A_523 : vector<1x1x16xf32> to vector<16xf32>
      %parallel_loop3A_525 = vector.shape_cast %parallel_loop3A_518 : vector<16xf32> to vector<1x1x16xf32>
      tpu.vector_store %arg8[%parallel_loop3A_520, %parallel_loop3A_521, %parallel_loop3A_522], %parallel_loop3A_525 {strides = array<i32>} : memref<4x128x128xf32, #tpu.memory_space<vmem>>, vector<1x1x16xf32>,
      %parallel_loop3A_526 = arith.constant 0 : i32
      %parallel_loop3A_527 = arith.index_cast %parallel_loop3A_526 : i32 to index
      %parallel_loop3A_528 = arith.index_cast %parallel_loop3A_405 : i32 to index
      %parallel_loop3A_529 = arith.constant 96 : index
      %parallel_loop3A_530 = tpu.vector_load %arg7[%parallel_loop3A_527, %parallel_loop3A_528, %parallel_loop3A_529] {strides = array<i32>} : memref<3x128x128xf32, #tpu.memory_space<vmem>>, vector<1x1x16xf32>,
      %parallel_loop3A_531 = vector.shape_cast %parallel_loop3A_530 : vector<1x1x16xf32> to vector<16xf32>
      %parallel_loop3A_532 = arith.constant 3 : i32
      %parallel_loop3A_533 = arith.index_cast %parallel_loop3A_532 : i32 to index
      %parallel_loop3A_534 = arith.index_cast %parallel_loop3A_405 : i32 to index
      %parallel_loop3A_535 = arith.constant 96 : index
      %parallel_loop3A_536 = tpu.vector_load %arg8[%parallel_loop3A_533, %parallel_loop3A_534, %parallel_loop3A_535] {strides = array<i32>} : memref<4x128x128xf32, #tpu.memory_space<vmem>>, vector<1x1x16xf32>,
      %parallel_loop3A_537 = vector.shape_cast %parallel_loop3A_536 : vector<1x1x16xf32> to vector<16xf32>
      %parallel_loop3A_538 = arith.mulf %parallel_loop3A_531, %parallel_loop3A_537 : vector<16xf32>
      %parallel_loop3A_539 = arith.constant 3 : i32
      %parallel_loop3A_540 = arith.index_cast %parallel_loop3A_539 : i32 to index
      %parallel_loop3A_541 = arith.index_cast %parallel_loop3A_405 : i32 to index
      %parallel_loop3A_542 = arith.constant 96 : index
      %parallel_loop3A_543 = tpu.vector_load %arg8[%parallel_loop3A_540, %parallel_loop3A_541, %parallel_loop3A_542] {strides = array<i32>} : memref<4x128x128xf32, #tpu.memory_space<vmem>>, vector<1x1x16xf32>,
      %parallel_loop3A_544 = vector.shape_cast %parallel_loop3A_543 : vector<1x1x16xf32> to vector<16xf32>
      %parallel_loop3A_545 = vector.shape_cast %parallel_loop3A_538 : vector<16xf32> to vector<1x1x16xf32>
      tpu.vector_store %arg8[%parallel_loop3A_540, %parallel_loop3A_541, %parallel_loop3A_542], %parallel_loop3A_545 {strides = array<i32>} : memref<4x128x128xf32, #tpu.memory_space<vmem>>, vector<1x1x16xf32>,
      %parallel_loop3A_546 = arith.constant 0 : i32
      %parallel_loop3A_547 = arith.index_cast %parallel_loop3A_546 : i32 to index
      %parallel_loop3A_548 = arith.index_cast %parallel_loop3A_405 : i32 to index
      %parallel_loop3A_549 = arith.constant 112 : index
      %parallel_loop3A_550 = tpu.vector_load %arg7[%parallel_loop3A_547, %parallel_loop3A_548, %parallel_loop3A_549] {strides = array<i32>} : memref<3x128x128xf32, #tpu.memory_space<vmem>>, vector<1x1x16xf32>,
      %parallel_loop3A_551 = vector.shape_cast %parallel_loop3A_550 : vector<1x1x16xf32> to vector<16xf32>
      %parallel_loop3A_552 = arith.constant 3 : i32
      %parallel_loop3A_553 = arith.index_cast %parallel_loop3A_552 : i32 to index
      %parallel_loop3A_554 = arith.index_cast %parallel_loop3A_405 : i32 to index
      %parallel_loop3A_555 = arith.constant 112 : index
      %parallel_loop3A_556 = tpu.vector_load %arg8[%parallel_loop3A_553, %parallel_loop3A_554, %parallel_loop3A_555] {strides = array<i32>} : memref<4x128x128xf32, #tpu.memory_space<vmem>>, vector<1x1x16xf32>,
      %parallel_loop3A_557 = vector.shape_cast %parallel_loop3A_556 : vector<1x1x16xf32> to vector<16xf32>
      %parallel_loop3A_558 = arith.mulf %parallel_loop3A_551, %parallel_loop3A_557 : vector<16xf32>
      %parallel_loop3A_559 = arith.constant 3 : i32
      %parallel_loop3A_560 = arith.index_cast %parallel_loop3A_559 : i32 to index
      %parallel_loop3A_561 = arith.index_cast %parallel_loop3A_405 : i32 to index
      %parallel_loop3A_562 = arith.constant 112 : index
      %parallel_loop3A_563 = tpu.vector_load %arg8[%parallel_loop3A_560, %parallel_loop3A_561, %parallel_loop3A_562] {strides = array<i32>} : memref<4x128x128xf32, #tpu.memory_space<vmem>>, vector<1x1x16xf32>,
      %parallel_loop3A_564 = vector.shape_cast %parallel_loop3A_563 : vector<1x1x16xf32> to vector<16xf32>
      %parallel_loop3A_565 = vector.shape_cast %parallel_loop3A_558 : vector<16xf32> to vector<1x1x16xf32>
      tpu.vector_store %arg8[%parallel_loop3A_560, %parallel_loop3A_561, %parallel_loop3A_562], %parallel_loop3A_565 {strides = array<i32>} : memref<4x128x128xf32, #tpu.memory_space<vmem>>, vector<1x1x16xf32>,
    } {sc.loop_unroll_factor = 1 : i64, sc.parallel_access}
    %add3A_303 = arith.constant 384 : i32
    %add3A_304 = arith.addi %mul3A_2, %add3A_303 : i32
    %add3A_305 = arith.constant 0 : i32
    %add3A_306 = arith.addi %add3A_304, %add3A_305 : i32
    %dma_start3A_307 = arith.constant 3 : i32
    %dma_start3A_308 = arith.constant 0 : i32
    %dma_start3A_309 = arith.constant 0 : i32
    %dma_start3A_310 = tpu.memref_slice %arg8[%dma_start3A_307, %dma_start3A_308, %dma_start3A_309] : memref<4x128x128xf32, #tpu.memory_space<vmem>> -> memref<1x64x128xf32, #tpu.memory_space<vmem>>
    %dma_start3A_311 = tpu.memref_squeeze %dma_start3A_310 : memref<1x64x128xf32, #tpu.memory_space<vmem>> -> memref<64x128xf32, #tpu.memory_space<vmem>>
    %dma_start3A_312 = arith.constant 0 : i32
    %dma_start3A_313 = tpu.memref_slice %arg5[%add3A_306, %dma_start3A_312] : memref<16384x128xf32, #tpu.memory_space<hbm>> -> memref<64x128xf32, #tpu.memory_space<hbm>>
    %dma_start3A_314 = arith.constant 0 : i32
    %dma_start3A_315 = tpu.memref_slice %arg5[%add3A_306, %dma_start3A_314] : memref<16384x128xf32, #tpu.memory_space<hbm>> -> memref<64x128xf32, #tpu.memory_space<hbm>>
    %dma_start3A_316 = arith.constant 0 : i32
    %dma_start3A_317 = arith.constant 0 : i32
    %dma_start3A_318 = tpu.memref_slice %arg8[%dma_start3A_307, %dma_start3A_316, %dma_start3A_317] : memref<4x128x128xf32, #tpu.memory_space<vmem>> -> memref<1x64x128xf32, #tpu.memory_space<vmem>>
    %dma_start3A_319 = tpu.memref_squeeze %dma_start3A_318 : memref<1x64x128xf32, #tpu.memory_space<vmem>> -> memref<64x128xf32, #tpu.memory_space<vmem>>
    tpu.enqueue_dma source(%dma_start3A_319 : memref<64x128xf32, #tpu.memory_space<vmem>>) target(%dma_start3A_315 : memref<64x128xf32, #tpu.memory_space<hbm>>) target_semaphore(%arg11 : memref<!tpu.dma_semaphore, #tpu.memory_space<semaphore_mem>>)
    %parallel_loop3A_320 = arith.constant 64 : i32
    %parallel_loop3A_321 = arith.constant 128 : i32
    %parallel_loop3A_322 = arith.constant 1 : i32
    scf.for %parallel_loop3A_405 = %parallel_loop3A_320 to %parallel_loop3A_321 step %parallel_loop3A_322  : i32 {
      %parallel_loop3A_406 = arith.constant 0 : i32
      %parallel_loop3A_407 = arith.index_cast %parallel_loop3A_406 : i32 to index
      %parallel_loop3A_408 = arith.index_cast %parallel_loop3A_405 : i32 to index
      %parallel_loop3A_409 = arith.constant 0 : index
      %parallel_loop3A_410 = tpu.vector_load %arg7[%parallel_loop3A_407, %parallel_loop3A_408, %parallel_loop3A_409] {strides = array<i32>} : memref<3x128x128xf32, #tpu.memory_space<vmem>>, vector<1x1x16xf32>,
      %parallel_loop3A_411 = vector.shape_cast %parallel_loop3A_410 : vector<1x1x16xf32> to vector<16xf32>
      %parallel_loop3A_412 = arith.constant 3 : i32
      %parallel_loop3A_413 = arith.index_cast %parallel_loop3A_412 : i32 to index
      %parallel_loop3A_414 = arith.index_cast %parallel_loop3A_405 : i32 to index
      %parallel_loop3A_415 = arith.constant 0 : index
      %parallel_loop3A_416 = tpu.vector_load %arg8[%parallel_loop3A_413, %parallel_loop3A_414, %parallel_loop3A_415] {strides = array<i32>} : memref<4x128x128xf32, #tpu.memory_space<vmem>>, vector<1x1x16xf32>,
      %parallel_loop3A_417 = vector.shape_cast %parallel_loop3A_416 : vector<1x1x16xf32> to vector<16xf32>
      %parallel_loop3A_418 = arith.mulf %parallel_loop3A_411, %parallel_loop3A_417 : vector<16xf32>
      %parallel_loop3A_419 = arith.constant 3 : i32
      %parallel_loop3A_420 = arith.index_cast %parallel_loop3A_419 : i32 to index
      %parallel_loop3A_421 = arith.index_cast %parallel_loop3A_405 : i32 to index
      %parallel_loop3A_422 = arith.constant 0 : index
      %parallel_loop3A_423 = tpu.vector_load %arg8[%parallel_loop3A_420, %parallel_loop3A_421, %parallel_loop3A_422] {strides = array<i32>} : memref<4x128x128xf32, #tpu.memory_space<vmem>>, vector<1x1x16xf32>,
      %parallel_loop3A_424 = vector.shape_cast %parallel_loop3A_423 : vector<1x1x16xf32> to vector<16xf32>
      %parallel_loop3A_425 = vector.shape_cast %parallel_loop3A_418 : vector<16xf32> to vector<1x1x16xf32>
      tpu.vector_store %arg8[%parallel_loop3A_420, %parallel_loop3A_421, %parallel_loop3A_422], %parallel_loop3A_425 {strides = array<i32>} : memref<4x128x128xf32, #tpu.memory_space<vmem>>, vector<1x1x16xf32>,
      %parallel_loop3A_426 = arith.constant 0 : i32
      %parallel_loop3A_427 = arith.index_cast %parallel_loop3A_426 : i32 to index
      %parallel_loop3A_428 = arith.index_cast %parallel_loop3A_405 : i32 to index
      %parallel_loop3A_429 = arith.constant 16 : index
      %parallel_loop3A_430 = tpu.vector_load %arg7[%parallel_loop3A_427, %parallel_loop3A_428, %parallel_loop3A_429] {strides = array<i32>} : memref<3x128x128xf32, #tpu.memory_space<vmem>>, vector<1x1x16xf32>,
      %parallel_loop3A_431 = vector.shape_cast %parallel_loop3A_430 : vector<1x1x16xf32> to vector<16xf32>
      %parallel_loop3A_432 = arith.constant 3 : i32
      %parallel_loop3A_433 = arith.index_cast %parallel_loop3A_432 : i32 to index
      %parallel_loop3A_434 = arith.index_cast %parallel_loop3A_405 : i32 to index
      %parallel_loop3A_435 = arith.constant 16 : index
      %parallel_loop3A_436 = tpu.vector_load %arg8[%parallel_loop3A_433, %parallel_loop3A_434, %parallel_loop3A_435] {strides = array<i32>} : memref<4x128x128xf32, #tpu.memory_space<vmem>>, vector<1x1x16xf32>,
      %parallel_loop3A_437 = vector.shape_cast %parallel_loop3A_436 : vector<1x1x16xf32> to vector<16xf32>
      %parallel_loop3A_438 = arith.mulf %parallel_loop3A_431, %parallel_loop3A_437 : vector<16xf32>
      %parallel_loop3A_439 = arith.constant 3 : i32
      %parallel_loop3A_440 = arith.index_cast %parallel_loop3A_439 : i32 to index
      %parallel_loop3A_441 = arith.index_cast %parallel_loop3A_405 : i32 to index
      %parallel_loop3A_442 = arith.constant 16 : index
      %parallel_loop3A_443 = tpu.vector_load %arg8[%parallel_loop3A_440, %parallel_loop3A_441, %parallel_loop3A_442] {strides = array<i32>} : memref<4x128x128xf32, #tpu.memory_space<vmem>>, vector<1x1x16xf32>,
      %parallel_loop3A_444 = vector.shape_cast %parallel_loop3A_443 : vector<1x1x16xf32> to vector<16xf32>
      %parallel_loop3A_445 = vector.shape_cast %parallel_loop3A_438 : vector<16xf32> to vector<1x1x16xf32>
      tpu.vector_store %arg8[%parallel_loop3A_440, %parallel_loop3A_441, %parallel_loop3A_442], %parallel_loop3A_445 {strides = array<i32>} : memref<4x128x128xf32, #tpu.memory_space<vmem>>, vector<1x1x16xf32>,
      %parallel_loop3A_446 = arith.constant 0 : i32
      %parallel_loop3A_447 = arith.index_cast %parallel_loop3A_446 : i32 to index
      %parallel_loop3A_448 = arith.index_cast %parallel_loop3A_405 : i32 to index
      %parallel_loop3A_449 = arith.constant 32 : index
      %parallel_loop3A_450 = tpu.vector_load %arg7[%parallel_loop3A_447, %parallel_loop3A_448, %parallel_loop3A_449] {strides = array<i32>} : memref<3x128x128xf32, #tpu.memory_space<vmem>>, vector<1x1x16xf32>,
      %parallel_loop3A_451 = vector.shape_cast %parallel_loop3A_450 : vector<1x1x16xf32> to vector<16xf32>
      %parallel_loop3A_452 = arith.constant 3 : i32
      %parallel_loop3A_453 = arith.index_cast %parallel_loop3A_452 : i32 to index
      %parallel_loop3A_454 = arith.index_cast %parallel_loop3A_405 : i32 to index
      %parallel_loop3A_455 = arith.constant 32 : index
      %parallel_loop3A_456 = tpu.vector_load %arg8[%parallel_loop3A_453, %parallel_loop3A_454, %parallel_loop3A_455] {strides = array<i32>} : memref<4x128x128xf32, #tpu.memory_space<vmem>>, vector<1x1x16xf32>,
      %parallel_loop3A_457 = vector.shape_cast %parallel_loop3A_456 : vector<1x1x16xf32> to vector<16xf32>
      %parallel_loop3A_458 = arith.mulf %parallel_loop3A_451, %parallel_loop3A_457 : vector<16xf32>
      %parallel_loop3A_459 = arith.constant 3 : i32
      %parallel_loop3A_460 = arith.index_cast %parallel_loop3A_459 : i32 to index
      %parallel_loop3A_461 = arith.index_cast %parallel_loop3A_405 : i32 to index
      %parallel_loop3A_462 = arith.constant 32 : index
      %parallel_loop3A_463 = tpu.vector_load %arg8[%parallel_loop3A_460, %parallel_loop3A_461, %parallel_loop3A_462] {strides = array<i32>} : memref<4x128x128xf32, #tpu.memory_space<vmem>>, vector<1x1x16xf32>,
      %parallel_loop3A_464 = vector.shape_cast %parallel_loop3A_463 : vector<1x1x16xf32> to vector<16xf32>
      %parallel_loop3A_465 = vector.shape_cast %parallel_loop3A_458 : vector<16xf32> to vector<1x1x16xf32>
      tpu.vector_store %arg8[%parallel_loop3A_460, %parallel_loop3A_461, %parallel_loop3A_462], %parallel_loop3A_465 {strides = array<i32>} : memref<4x128x128xf32, #tpu.memory_space<vmem>>, vector<1x1x16xf32>,
      %parallel_loop3A_466 = arith.constant 0 : i32
      %parallel_loop3A_467 = arith.index_cast %parallel_loop3A_466 : i32 to index
      %parallel_loop3A_468 = arith.index_cast %parallel_loop3A_405 : i32 to index
      %parallel_loop3A_469 = arith.constant 48 : index
      %parallel_loop3A_470 = tpu.vector_load %arg7[%parallel_loop3A_467, %parallel_loop3A_468, %parallel_loop3A_469] {strides = array<i32>} : memref<3x128x128xf32, #tpu.memory_space<vmem>>, vector<1x1x16xf32>,
      %parallel_loop3A_471 = vector.shape_cast %parallel_loop3A_470 : vector<1x1x16xf32> to vector<16xf32>
      %parallel_loop3A_472 = arith.constant 3 : i32
      %parallel_loop3A_473 = arith.index_cast %parallel_loop3A_472 : i32 to index
      %parallel_loop3A_474 = arith.index_cast %parallel_loop3A_405 : i32 to index
      %parallel_loop3A_475 = arith.constant 48 : index
      %parallel_loop3A_476 = tpu.vector_load %arg8[%parallel_loop3A_473, %parallel_loop3A_474, %parallel_loop3A_475] {strides = array<i32>} : memref<4x128x128xf32, #tpu.memory_space<vmem>>, vector<1x1x16xf32>,
      %parallel_loop3A_477 = vector.shape_cast %parallel_loop3A_476 : vector<1x1x16xf32> to vector<16xf32>
      %parallel_loop3A_478 = arith.mulf %parallel_loop3A_471, %parallel_loop3A_477 : vector<16xf32>
      %parallel_loop3A_479 = arith.constant 3 : i32
      %parallel_loop3A_480 = arith.index_cast %parallel_loop3A_479 : i32 to index
      %parallel_loop3A_481 = arith.index_cast %parallel_loop3A_405 : i32 to index
      %parallel_loop3A_482 = arith.constant 48 : index
      %parallel_loop3A_483 = tpu.vector_load %arg8[%parallel_loop3A_480, %parallel_loop3A_481, %parallel_loop3A_482] {strides = array<i32>} : memref<4x128x128xf32, #tpu.memory_space<vmem>>, vector<1x1x16xf32>,
      %parallel_loop3A_484 = vector.shape_cast %parallel_loop3A_483 : vector<1x1x16xf32> to vector<16xf32>
      %parallel_loop3A_485 = vector.shape_cast %parallel_loop3A_478 : vector<16xf32> to vector<1x1x16xf32>
      tpu.vector_store %arg8[%parallel_loop3A_480, %parallel_loop3A_481, %parallel_loop3A_482], %parallel_loop3A_485 {strides = array<i32>} : memref<4x128x128xf32, #tpu.memory_space<vmem>>, vector<1x1x16xf32>,
      %parallel_loop3A_486 = arith.constant 0 : i32
      %parallel_loop3A_487 = arith.index_cast %parallel_loop3A_486 : i32 to index
      %parallel_loop3A_488 = arith.index_cast %parallel_loop3A_405 : i32 to index
      %parallel_loop3A_489 = arith.constant 64 : index
      %parallel_loop3A_490 = tpu.vector_load %arg7[%parallel_loop3A_487, %parallel_loop3A_488, %parallel_loop3A_489] {strides = array<i32>} : memref<3x128x128xf32, #tpu.memory_space<vmem>>, vector<1x1x16xf32>,
      %parallel_loop3A_491 = vector.shape_cast %parallel_loop3A_490 : vector<1x1x16xf32> to vector<16xf32>
      %parallel_loop3A_492 = arith.constant 3 : i32
      %parallel_loop3A_493 = arith.index_cast %parallel_loop3A_492 : i32 to index
      %parallel_loop3A_494 = arith.index_cast %parallel_loop3A_405 : i32 to index
      %parallel_loop3A_495 = arith.constant 64 : index
      %parallel_loop3A_496 = tpu.vector_load %arg8[%parallel_loop3A_493, %parallel_loop3A_494, %parallel_loop3A_495] {strides = array<i32>} : memref<4x128x128xf32, #tpu.memory_space<vmem>>, vector<1x1x16xf32>,
      %parallel_loop3A_497 = vector.shape_cast %parallel_loop3A_496 : vector<1x1x16xf32> to vector<16xf32>
      %parallel_loop3A_498 = arith.mulf %parallel_loop3A_491, %parallel_loop3A_497 : vector<16xf32>
      %parallel_loop3A_499 = arith.constant 3 : i32
      %parallel_loop3A_500 = arith.index_cast %parallel_loop3A_499 : i32 to index
      %parallel_loop3A_501 = arith.index_cast %parallel_loop3A_405 : i32 to index
      %parallel_loop3A_502 = arith.constant 64 : index
      %parallel_loop3A_503 = tpu.vector_load %arg8[%parallel_loop3A_500, %parallel_loop3A_501, %parallel_loop3A_502] {strides = array<i32>} : memref<4x128x128xf32, #tpu.memory_space<vmem>>, vector<1x1x16xf32>,
      %parallel_loop3A_504 = vector.shape_cast %parallel_loop3A_503 : vector<1x1x16xf32> to vector<16xf32>
      %parallel_loop3A_505 = vector.shape_cast %parallel_loop3A_498 : vector<16xf32> to vector<1x1x16xf32>
      tpu.vector_store %arg8[%parallel_loop3A_500, %parallel_loop3A_501, %parallel_loop3A_502], %parallel_loop3A_505 {strides = array<i32>} : memref<4x128x128xf32, #tpu.memory_space<vmem>>, vector<1x1x16xf32>,
      %parallel_loop3A_506 = arith.constant 0 : i32
      %parallel_loop3A_507 = arith.index_cast %parallel_loop3A_506 : i32 to index
      %parallel_loop3A_508 = arith.index_cast %parallel_loop3A_405 : i32 to index
      %parallel_loop3A_509 = arith.constant 80 : index
      %parallel_loop3A_510 = tpu.vector_load %arg7[%parallel_loop3A_507, %parallel_loop3A_508, %parallel_loop3A_509] {strides = array<i32>} : memref<3x128x128xf32, #tpu.memory_space<vmem>>, vector<1x1x16xf32>,
      %parallel_loop3A_511 = vector.shape_cast %parallel_loop3A_510 : vector<1x1x16xf32> to vector<16xf32>
      %parallel_loop3A_512 = arith.constant 3 : i32
      %parallel_loop3A_513 = arith.index_cast %parallel_loop3A_512 : i32 to index
      %parallel_loop3A_514 = arith.index_cast %parallel_loop3A_405 : i32 to index
      %parallel_loop3A_515 = arith.constant 80 : index
      %parallel_loop3A_516 = tpu.vector_load %arg8[%parallel_loop3A_513, %parallel_loop3A_514, %parallel_loop3A_515] {strides = array<i32>} : memref<4x128x128xf32, #tpu.memory_space<vmem>>, vector<1x1x16xf32>,
      %parallel_loop3A_517 = vector.shape_cast %parallel_loop3A_516 : vector<1x1x16xf32> to vector<16xf32>
      %parallel_loop3A_518 = arith.mulf %parallel_loop3A_511, %parallel_loop3A_517 : vector<16xf32>
      %parallel_loop3A_519 = arith.constant 3 : i32
      %parallel_loop3A_520 = arith.index_cast %parallel_loop3A_519 : i32 to index
      %parallel_loop3A_521 = arith.index_cast %parallel_loop3A_405 : i32 to index
      %parallel_loop3A_522 = arith.constant 80 : index
      %parallel_loop3A_523 = tpu.vector_load %arg8[%parallel_loop3A_520, %parallel_loop3A_521, %parallel_loop3A_522] {strides = array<i32>} : memref<4x128x128xf32, #tpu.memory_space<vmem>>, vector<1x1x16xf32>,
      %parallel_loop3A_524 = vector.shape_cast %parallel_loop3A_523 : vector<1x1x16xf32> to vector<16xf32>
      %parallel_loop3A_525 = vector.shape_cast %parallel_loop3A_518 : vector<16xf32> to vector<1x1x16xf32>
      tpu.vector_store %arg8[%parallel_loop3A_520, %parallel_loop3A_521, %parallel_loop3A_522], %parallel_loop3A_525 {strides = array<i32>} : memref<4x128x128xf32, #tpu.memory_space<vmem>>, vector<1x1x16xf32>,
      %parallel_loop3A_526 = arith.constant 0 : i32
      %parallel_loop3A_527 = arith.index_cast %parallel_loop3A_526 : i32 to index
      %parallel_loop3A_528 = arith.index_cast %parallel_loop3A_405 : i32 to index
      %parallel_loop3A_529 = arith.constant 96 : index
      %parallel_loop3A_530 = tpu.vector_load %arg7[%parallel_loop3A_527, %parallel_loop3A_528, %parallel_loop3A_529] {strides = array<i32>} : memref<3x128x128xf32, #tpu.memory_space<vmem>>, vector<1x1x16xf32>,
      %parallel_loop3A_531 = vector.shape_cast %parallel_loop3A_530 : vector<1x1x16xf32> to vector<16xf32>
      %parallel_loop3A_532 = arith.constant 3 : i32
      %parallel_loop3A_533 = arith.index_cast %parallel_loop3A_532 : i32 to index
      %parallel_loop3A_534 = arith.index_cast %parallel_loop3A_405 : i32 to index
      %parallel_loop3A_535 = arith.constant 96 : index
      %parallel_loop3A_536 = tpu.vector_load %arg8[%parallel_loop3A_533, %parallel_loop3A_534, %parallel_loop3A_535] {strides = array<i32>} : memref<4x128x128xf32, #tpu.memory_space<vmem>>, vector<1x1x16xf32>,
      %parallel_loop3A_537 = vector.shape_cast %parallel_loop3A_536 : vector<1x1x16xf32> to vector<16xf32>
      %parallel_loop3A_538 = arith.mulf %parallel_loop3A_531, %parallel_loop3A_537 : vector<16xf32>
      %parallel_loop3A_539 = arith.constant 3 : i32
      %parallel_loop3A_540 = arith.index_cast %parallel_loop3A_539 : i32 to index
      %parallel_loop3A_541 = arith.index_cast %parallel_loop3A_405 : i32 to index
      %parallel_loop3A_542 = arith.constant 96 : index
      %parallel_loop3A_543 = tpu.vector_load %arg8[%parallel_loop3A_540, %parallel_loop3A_541, %parallel_loop3A_542] {strides = array<i32>} : memref<4x128x128xf32, #tpu.memory_space<vmem>>, vector<1x1x16xf32>,
      %parallel_loop3A_544 = vector.shape_cast %parallel_loop3A_543 : vector<1x1x16xf32> to vector<16xf32>
      %parallel_loop3A_545 = vector.shape_cast %parallel_loop3A_538 : vector<16xf32> to vector<1x1x16xf32>
      tpu.vector_store %arg8[%parallel_loop3A_540, %parallel_loop3A_541, %parallel_loop3A_542], %parallel_loop3A_545 {strides = array<i32>} : memref<4x128x128xf32, #tpu.memory_space<vmem>>, vector<1x1x16xf32>,
      %parallel_loop3A_546 = arith.constant 0 : i32
      %parallel_loop3A_547 = arith.index_cast %parallel_loop3A_546 : i32 to index
      %parallel_loop3A_548 = arith.index_cast %parallel_loop3A_405 : i32 to index
      %parallel_loop3A_549 = arith.constant 112 : index
      %parallel_loop3A_550 = tpu.vector_load %arg7[%parallel_loop3A_547, %parallel_loop3A_548, %parallel_loop3A_549] {strides = array<i32>} : memref<3x128x128xf32, #tpu.memory_space<vmem>>, vector<1x1x16xf32>,
      %parallel_loop3A_551 = vector.shape_cast %parallel_loop3A_550 : vector<1x1x16xf32> to vector<16xf32>
      %parallel_loop3A_552 = arith.constant 3 : i32
      %parallel_loop3A_553 = arith.index_cast %parallel_loop3A_552 : i32 to index
      %parallel_loop3A_554 = arith.index_cast %parallel_loop3A_405 : i32 to index
      %parallel_loop3A_555 = arith.constant 112 : index
      %parallel_loop3A_556 = tpu.vector_load %arg8[%parallel_loop3A_553, %parallel_loop3A_554, %parallel_loop3A_555] {strides = array<i32>} : memref<4x128x128xf32, #tpu.memory_space<vmem>>, vector<1x1x16xf32>,
      %parallel_loop3A_557 = vector.shape_cast %parallel_loop3A_556 : vector<1x1x16xf32> to vector<16xf32>
      %parallel_loop3A_558 = arith.mulf %parallel_loop3A_551, %parallel_loop3A_557 : vector<16xf32>
      %parallel_loop3A_559 = arith.constant 3 : i32
      %parallel_loop3A_560 = arith.index_cast %parallel_loop3A_559 : i32 to index
      %parallel_loop3A_561 = arith.index_cast %parallel_loop3A_405 : i32 to index
      %parallel_loop3A_562 = arith.constant 112 : index
      %parallel_loop3A_563 = tpu.vector_load %arg8[%parallel_loop3A_560, %parallel_loop3A_561, %parallel_loop3A_562] {strides = array<i32>} : memref<4x128x128xf32, #tpu.memory_space<vmem>>, vector<1x1x16xf32>,
      %parallel_loop3A_564 = vector.shape_cast %parallel_loop3A_563 : vector<1x1x16xf32> to vector<16xf32>
      %parallel_loop3A_565 = vector.shape_cast %parallel_loop3A_558 : vector<16xf32> to vector<1x1x16xf32>
      tpu.vector_store %arg8[%parallel_loop3A_560, %parallel_loop3A_561, %parallel_loop3A_562], %parallel_loop3A_565 {strides = array<i32>} : memref<4x128x128xf32, #tpu.memory_space<vmem>>, vector<1x1x16xf32>,
    } {sc.loop_unroll_factor = 1 : i64, sc.parallel_access}
    %add3A_323 = arith.constant 384 : i32
    %add3A_324 = arith.addi %mul3A_2, %add3A_323 : i32
    %add3A_325 = arith.constant 64 : i32
    %add3A_326 = arith.addi %add3A_324, %add3A_325 : i32
    %dma_start3A_327 = arith.constant 3 : i32
    %dma_start3A_328 = arith.constant 64 : i32
    %dma_start3A_329 = arith.constant 0 : i32
    %dma_start3A_330 = tpu.memref_slice %arg8[%dma_start3A_327, %dma_start3A_328, %dma_start3A_329] : memref<4x128x128xf32, #tpu.memory_space<vmem>> -> memref<1x64x128xf32, #tpu.memory_space<vmem>>
    %dma_start3A_331 = tpu.memref_squeeze %dma_start3A_330 : memref<1x64x128xf32, #tpu.memory_space<vmem>> -> memref<64x128xf32, #tpu.memory_space<vmem>>
    %dma_start3A_332 = arith.constant 0 : i32
    %dma_start3A_333 = tpu.memref_slice %arg5[%add3A_326, %dma_start3A_332] : memref<16384x128xf32, #tpu.memory_space<hbm>> -> memref<64x128xf32, #tpu.memory_space<hbm>>
    %dma_start3A_334 = arith.constant 0 : i32
    %dma_start3A_335 = tpu.memref_slice %arg5[%add3A_326, %dma_start3A_334] : memref<16384x128xf32, #tpu.memory_space<hbm>> -> memref<64x128xf32, #tpu.memory_space<hbm>>
    %dma_start3A_336 = arith.constant 64 : i32
    %dma_start3A_337 = arith.constant 0 : i32
    %dma_start3A_338 = tpu.memref_slice %arg8[%dma_start3A_327, %dma_start3A_336, %dma_start3A_337] : memref<4x128x128xf32, #tpu.memory_space<vmem>> -> memref<1x64x128xf32, #tpu.memory_space<vmem>>
    %dma_start3A_339 = tpu.memref_squeeze %dma_start3A_338 : memref<1x64x128xf32, #tpu.memory_space<vmem>> -> memref<64x128xf32, #tpu.memory_space<vmem>>
    tpu.enqueue_dma source(%dma_start3A_339 : memref<64x128xf32, #tpu.memory_space<vmem>>) target(%dma_start3A_335 : memref<64x128xf32, #tpu.memory_space<hbm>>) target_semaphore(%arg11 : memref<!tpu.dma_semaphore, #tpu.memory_space<semaphore_mem>>)
    %dma_wait3A_340 = arith.constant 0 : i32
    %dma_wait3A_341 = arith.constant 0 : i32
    %dma_wait3A_342 = arith.constant 0 : i32
    %dma_wait3A_343 = tpu.memref_slice %arg8[%dma_wait3A_340, %dma_wait3A_341, %dma_wait3A_342] : memref<4x128x128xf32, #tpu.memory_space<vmem>> -> memref<1x128x128xf32, #tpu.memory_space<vmem>>
    %dma_wait3A_344 = tpu.memref_squeeze %dma_wait3A_343 : memref<1x128x128xf32, #tpu.memory_space<vmem>> -> memref<128x128xf32, #tpu.memory_space<vmem>>
    %dma_wait3A_345 = arith.constant 0 : i32
    %dma_wait3A_346 = tpu.memref_slice %arg5[%add3A_146, %dma_wait3A_345] : memref<16384x128xf32, #tpu.memory_space<hbm>> -> memref<128x128xf32, #tpu.memory_space<hbm>>
    %dma_wait3A_347 = arith.constant 0 : i32
    %dma_wait3A_348 = tpu.memref_slice %arg5[%add3A_146, %dma_wait3A_347] : memref<16384x128xf32, #tpu.memory_space<hbm>> -> memref<128x128xf32, #tpu.memory_space<hbm>>
    %dma_wait3A_349 = arith.constant 0 : i32
    %dma_wait3A_350 = arith.constant 0 : i32
    %dma_wait3A_351 = tpu.memref_slice %arg8[%dma_wait3A_340, %dma_wait3A_349, %dma_wait3A_350] : memref<4x128x128xf32, #tpu.memory_space<vmem>> -> memref<1x128x128xf32, #tpu.memory_space<vmem>>
    %dma_wait3A_352 = tpu.memref_squeeze %dma_wait3A_351 : memref<1x128x128xf32, #tpu.memory_space<vmem>> -> memref<128x128xf32, #tpu.memory_space<vmem>>
    tpu.wait_dma2 semaphore(%arg11 : memref<!tpu.dma_semaphore, #tpu.memory_space<semaphore_mem>>) src(%dma_wait3A_352 : memref<128x128xf32, #tpu.memory_space<vmem>>) dst(%dma_wait3A_348 : memref<128x128xf32, #tpu.memory_space<hbm>>)
    %dma_wait3A_353 = arith.constant 1 : i32
    %dma_wait3A_354 = arith.constant 0 : i32
    %dma_wait3A_355 = arith.constant 0 : i32
    %dma_wait3A_356 = tpu.memref_slice %arg8[%dma_wait3A_353, %dma_wait3A_354, %dma_wait3A_355] : memref<4x128x128xf32, #tpu.memory_space<vmem>> -> memref<1x128x128xf32, #tpu.memory_space<vmem>>
    %dma_wait3A_357 = tpu.memref_squeeze %dma_wait3A_356 : memref<1x128x128xf32, #tpu.memory_space<vmem>> -> memref<128x128xf32, #tpu.memory_space<vmem>>
    %dma_wait3A_358 = arith.constant 0 : i32
    %dma_wait3A_359 = tpu.memref_slice %arg5[%add3A_208, %dma_wait3A_358] : memref<16384x128xf32, #tpu.memory_space<hbm>> -> memref<128x128xf32, #tpu.memory_space<hbm>>
    %dma_wait3A_360 = arith.constant 0 : i32
    %dma_wait3A_361 = tpu.memref_slice %arg5[%add3A_208, %dma_wait3A_360] : memref<16384x128xf32, #tpu.memory_space<hbm>> -> memref<128x128xf32, #tpu.memory_space<hbm>>
    %dma_wait3A_362 = arith.constant 0 : i32
    %dma_wait3A_363 = arith.constant 0 : i32
    %dma_wait3A_364 = tpu.memref_slice %arg8[%dma_wait3A_353, %dma_wait3A_362, %dma_wait3A_363] : memref<4x128x128xf32, #tpu.memory_space<vmem>> -> memref<1x128x128xf32, #tpu.memory_space<vmem>>
    %dma_wait3A_365 = tpu.memref_squeeze %dma_wait3A_364 : memref<1x128x128xf32, #tpu.memory_space<vmem>> -> memref<128x128xf32, #tpu.memory_space<vmem>>
    tpu.wait_dma2 semaphore(%arg11 : memref<!tpu.dma_semaphore, #tpu.memory_space<semaphore_mem>>) src(%dma_wait3A_365 : memref<128x128xf32, #tpu.memory_space<vmem>>) dst(%dma_wait3A_361 : memref<128x128xf32, #tpu.memory_space<hbm>>)
    %dma_wait3A_366 = arith.constant 2 : i32
    %dma_wait3A_367 = arith.constant 0 : i32
    %dma_wait3A_368 = arith.constant 0 : i32
    %dma_wait3A_369 = tpu.memref_slice %arg8[%dma_wait3A_366, %dma_wait3A_367, %dma_wait3A_368] : memref<4x128x128xf32, #tpu.memory_space<vmem>> -> memref<1x128x128xf32, #tpu.memory_space<vmem>>
    %dma_wait3A_370 = tpu.memref_squeeze %dma_wait3A_369 : memref<1x128x128xf32, #tpu.memory_space<vmem>> -> memref<128x128xf32, #tpu.memory_space<vmem>>
    %dma_wait3A_371 = arith.constant 0 : i32
    %dma_wait3A_372 = tpu.memref_slice %arg5[%add3A_257, %dma_wait3A_371] : memref<16384x128xf32, #tpu.memory_space<hbm>> -> memref<128x128xf32, #tpu.memory_space<hbm>>
    %dma_wait3A_373 = arith.constant 0 : i32
    %dma_wait3A_374 = tpu.memref_slice %arg5[%add3A_257, %dma_wait3A_373] : memref<16384x128xf32, #tpu.memory_space<hbm>> -> memref<128x128xf32, #tpu.memory_space<hbm>>
    %dma_wait3A_375 = arith.constant 0 : i32
    %dma_wait3A_376 = arith.constant 0 : i32
    %dma_wait3A_377 = tpu.memref_slice %arg8[%dma_wait3A_366, %dma_wait3A_375, %dma_wait3A_376] : memref<4x128x128xf32, #tpu.memory_space<vmem>> -> memref<1x128x128xf32, #tpu.memory_space<vmem>>
    %dma_wait3A_378 = tpu.memref_squeeze %dma_wait3A_377 : memref<1x128x128xf32, #tpu.memory_space<vmem>> -> memref<128x128xf32, #tpu.memory_space<vmem>>
    tpu.wait_dma2 semaphore(%arg11 : memref<!tpu.dma_semaphore, #tpu.memory_space<semaphore_mem>>) src(%dma_wait3A_378 : memref<128x128xf32, #tpu.memory_space<vmem>>) dst(%dma_wait3A_374 : memref<128x128xf32, #tpu.memory_space<hbm>>)
    %dma_wait3A_379 = arith.constant 3 : i32
    %dma_wait3A_380 = arith.constant 0 : i32
    %dma_wait3A_381 = arith.constant 0 : i32
    %dma_wait3A_382 = tpu.memref_slice %arg8[%dma_wait3A_379, %dma_wait3A_380, %dma_wait3A_381] : memref<4x128x128xf32, #tpu.memory_space<vmem>> -> memref<1x64x128xf32, #tpu.memory_space<vmem>>
    %dma_wait3A_383 = tpu.memref_squeeze %dma_wait3A_382 : memref<1x64x128xf32, #tpu.memory_space<vmem>> -> memref<64x128xf32, #tpu.memory_space<vmem>>
    %dma_wait3A_384 = arith.constant 0 : i32
    %dma_wait3A_385 = tpu.memref_slice %arg5[%add3A_306, %dma_wait3A_384] : memref<16384x128xf32, #tpu.memory_space<hbm>> -> memref<64x128xf32, #tpu.memory_space<hbm>>
    %dma_wait3A_386 = arith.constant 0 : i32
    %dma_wait3A_387 = tpu.memref_slice %arg5[%add3A_306, %dma_wait3A_386] : memref<16384x128xf32, #tpu.memory_space<hbm>> -> memref<64x128xf32, #tpu.memory_space<hbm>>
    %dma_wait3A_388 = arith.constant 0 : i32
    %dma_wait3A_389 = arith.constant 0 : i32
    %dma_wait3A_390 = tpu.memref_slice %arg8[%dma_wait3A_379, %dma_wait3A_388, %dma_wait3A_389] : memref<4x128x128xf32, #tpu.memory_space<vmem>> -> memref<1x64x128xf32, #tpu.memory_space<vmem>>
    %dma_wait3A_391 = tpu.memref_squeeze %dma_wait3A_390 : memref<1x64x128xf32, #tpu.memory_space<vmem>> -> memref<64x128xf32, #tpu.memory_space<vmem>>
    tpu.wait_dma2 semaphore(%arg11 : memref<!tpu.dma_semaphore, #tpu.memory_space<semaphore_mem>>) src(%dma_wait3A_391 : memref<64x128xf32, #tpu.memory_space<vmem>>) dst(%dma_wait3A_387 : memref<64x128xf32, #tpu.memory_space<hbm>>)
    %dma_wait3A_392 = arith.constant 3 : i32
    %dma_wait3A_393 = arith.constant 64 : i32
    %dma_wait3A_394 = arith.constant 0 : i32
    %dma_wait3A_395 = tpu.memref_slice %arg8[%dma_wait3A_392, %dma_wait3A_393, %dma_wait3A_394] : memref<4x128x128xf32, #tpu.memory_space<vmem>> -> memref<1x64x128xf32, #tpu.memory_space<vmem>>
    %dma_wait3A_396 = tpu.memref_squeeze %dma_wait3A_395 : memref<1x64x128xf32, #tpu.memory_space<vmem>> -> memref<64x128xf32, #tpu.memory_space<vmem>>
    %dma_wait3A_397 = arith.constant 0 : i32
    %dma_wait3A_398 = tpu.memref_slice %arg5[%add3A_326, %dma_wait3A_397] : memref<16384x128xf32, #tpu.memory_space<hbm>> -> memref<64x128xf32, #tpu.memory_space<hbm>>
    %dma_wait3A_399 = arith.constant 0 : i32
    %dma_wait3A_400 = tpu.memref_slice %arg5[%add3A_326, %dma_wait3A_399] : memref<16384x128xf32, #tpu.memory_space<hbm>> -> memref<64x128xf32, #tpu.memory_space<hbm>>
    %dma_wait3A_401 = arith.constant 64 : i32
    %dma_wait3A_402 = arith.constant 0 : i32
    %dma_wait3A_403 = tpu.memref_slice %arg8[%dma_wait3A_392, %dma_wait3A_401, %dma_wait3A_402] : memref<4x128x128xf32, #tpu.memory_space<vmem>> -> memref<1x64x128xf32, #tpu.memory_space<vmem>>
    %dma_wait3A_404 = tpu.memref_squeeze %dma_wait3A_403 : memref<1x64x128xf32, #tpu.memory_space<vmem>> -> memref<64x128xf32, #tpu.memory_space<vmem>>
    tpu.wait_dma2 semaphore(%arg11 : memref<!tpu.dma_semaphore, #tpu.memory_space<semaphore_mem>>) src(%dma_wait3A_404 : memref<64x128xf32, #tpu.memory_space<vmem>>) dst(%dma_wait3A_400 : memref<64x128xf32, #tpu.memory_space<hbm>>)
    return
  }
}

</mosaic_0001>

<sc_bundles>
// kernel: kernel.3.cloned.1.call-start
scs
__scs_entry_jumppad:
0x0: {  	(pc) =	sbr.rel $0x88, $3  }
0x1: {  	(tag) =	ssettag $0x0;
	lr =	simm.s32 $0x1  }
0x2: {  	[smem:$0x3F9E] =	sst lr;
	_ =	strace $0xD0000000  }
0x3: {  	_ = 	snop  }
0x4: {  	_ = 	snop  }
0x5: {  	_ = 	snop  }
0x6: {  	_ = 	snop  }
0x7: {  	_ = 	snop  }
__scs_overlays_trampoline_lowered:
0x8: {  	[smem:$0x3FAD] =	sst s0  }
0x9: {  	[smem:$0x3FAE] =	sst s1  }
0xa: {  	[smem:$0x3FAF] =	sst s2  }
0xb: {  	[smem:$0x3FB0] =	sst s3  }
0xc: {  	[smem:$0x3FB1] =	sst s4  }
0xd: {  	[smem:$0x3FB2] =	sst s5  }
0xe: {  	[smem:$0x3FB3] =	sst s6  }
0xf: {  	[smem:$0x3FB4] =	sst s7  }
0x10: {  	[smem:$0x3FB5] =	sst s8  }
0x11: {  	[smem:$0x3FB6] =	sst s9;
	s0 =	simm.s32 @!p0 $0x0  }
0x12: {  	s1 =	sld [smem:$0x3F9C];
	s0 =	simm.s32 @p0 $0x1  }
0x13: {  	[smem:$0x3FB7] =	sst s0;
	s0 =	simm.s32 @!p1 $0x0  }
0x14: {  	s2 =	sld [smem:$0x3F9B];
	s0 =	simm.s32 @p1 $0x1  }
0x15: {  	[smem:$0x3FB8] =	sst s0;
	s0 =	simm.s32 @!p2 $0x0  }
0x16: {  	s3 =	sld [smem:$0x3FDB];
	s0 =	simm.s32 @p2 $0x1  }
0x17: {  	s4 =	simm.s32 $0x1BF5;
	[smem:$0x3FBA] =	sst s0  }
0x18: {  	s0 =	sld [smem:$0x3F9D];
	_ =	swait.ge [sflag:s4], $0x0  }
0x19: {  	s7 =	sld [smem:$0x3F9E]  }
0x1a: {  	s8 =	sadd.s32 $0xFFFFE003, lr  }
0x1b: {  	s9 =	sadd.s32 $0xFFFFFEF7, lr;
	s5 =	simm.s32 $0xFFFFFFFF;
	p2 =	slt.u32 s8, $0xFFFFF086  }
0x1c: {  	p1 =	slt.u32 s9, $0xF7A;
	s5 =	simm.s32 @!p2 $0x0  }
0x1d: {  	s5 =	simm.s32 @p1 $0x1;
	p0 =	seq.s32 s7, s2  }
0x1e: {  	s7 =	smul.u32 @!p0 $0xF7A, s2;
	p2 =	seq.s32 @!p0 s5, $0x0  }
0x1f: {  	s9 =	smul.u32 $0xF7A, s1;
	s8 =	simm.s32 @!p0 $0x1BF5;
	p2 =	por !p2, p0  }
0x20: {  	[sflag:s8] =	ssyncset.s32 @!p0 $0xFFFFF086;
	s6 =	sadd.s32 @!p0 s3, s7;
	s7 =	simm.s32 @!p0 $0x108  }
0x21: {  	s3 =	sadd.s32 s3, s9;
	s6 =	sadd.s32 @!p0 $0x88, s6;
	s7 =	simm.s32 @p2 $0x1082  }
0x22: {  	[simem:s7], [sflag:s8] =	dma.local @!p0 [hbm:s6], $0xF7A  }
0x23: {  	s9 =	sor.u32 $0xD0000000, s2;
	s6 =	simm.s32 $0x108;
	_ =	swait.ge @!p0 [sflag:s8], $0x0  }
0x24: {  	s3 =	sadd.s32 $0x88, s3;
	s6 =	simm.s32 @!p1 $0x1082;
	[sflag:s4] =	ssyncset.s32 $0xFFFFF086  }
0x25: {  	[simem:s6], [sflag:s4] =	dma.local [hbm:s3], $0xF7A  }
0x26: {  	[smem:$0x3F9E] =	sst s1;
	(tag) =	ssettag s2;
	_ =	strace s9  }
0x27: {  	s1 =	sld [smem:$0x3FAE]  }
0x28: {  	s2 =	sld [smem:$0x3FAF]  }
0x29: {  	s4 =	sld [smem:$0x3FB1]  }
0x2a: {  	p0 =	seq.s32 s5, $0x0;
	s5 =	sld [smem:$0x3FB2]  }
0x2b: {  	s6 =	sld [smem:$0x3FB3]  }
0x2c: {  	s7 =	sld [smem:$0x3FB4]  }
0x2d: {  	s3 =	simm.s32 $0x108;
	s8 =	sld [smem:$0x3FB5]  }
0x2e: {  	s3 =	simm.s32 @!p0 $0x1082;
	s9 =	sld [smem:$0x3FB6]  }
0x2f: {  	lr =	sadd.s32 s0, s3;
	s0 =	sld [smem:$0x3FAD]  }
0x30: {  	s3 =	sld [smem:$0x3FB0]  }
0x31: {  	[smem:$0x3FB9] =	sst s10  }
0x32: {  	s10 =	sld [smem:$0x3FB7];
	_ =	sdelay $0x3  }
0x33: {  	p0 =	seq.s32 s10, $0x1;
	s10 =	sld [smem:$0x3FB9];
	_ =	sdelay $0x3  }
0x34: {  	[smem:$0x3FB9] =	sst s10  }
0x35: {  	s10 =	sld [smem:$0x3FB8];
	_ =	sdelay $0x3  }
0x36: {  	p1 =	seq.s32 s10, $0x1;
	s10 =	sld [smem:$0x3FB9];
	_ =	sdelay $0x3  }
0x37: {  	[smem:$0x3FB9] =	sst s10  }
0x38: {  	s10 =	sld [smem:$0x3FBA]  }
0x39: {  	_ = 	snop;
	(pc) =	sbr.ind lr, $3  }
0x3a: {  	_ = 	snop  }
0x3b: {  	_ = 	snop  }
0x3c: {  	p2 =	seq.s32 s10, $0x1;
	s10 =	sld [smem:$0x3FB9]  }
0x3d: {  	_ =	shalt  }
0x3e: {  	_ =	shalt  }
0x3f: {  	_ =	shalt  }
0x40: {  	_ =	shalt  }
0x41: {  	_ =	shalt  }
0x42: {  	_ =	shalt  }
0x43: {  	_ =	shalt  }
0x44: {  	_ =	shalt  }
0x45: {  	_ =	shalt  }
0x46: {  	_ =	shalt  }
0x47: {  	_ =	shalt  }
0x48: {  	_ =	shalt  }
0x49: {  	_ =	shalt  }
0x4a: {  	_ =	shalt  }
0x4b: {  	_ =	shalt  }
0x4c: {  	_ =	shalt  }
0x4d: {  	_ =	shalt  }
0x4e: {  	_ =	shalt  }
0x4f: {  	_ =	shalt  }
0x50: {  	_ =	shalt  }
0x51: {  	_ =	shalt  }
0x52: {  	_ =	shalt  }
0x53: {  	_ =	shalt  }
0x54: {  	_ =	shalt  }
0x55: {  	_ =	shalt  }
0x56: {  	_ =	shalt  }
0x57: {  	_ =	shalt  }
0x58: {  	_ =	shalt  }
0x59: {  	_ =	shalt  }
0x5a: {  	_ =	shalt  }
0x5b: {  	_ =	shalt  }
0x5c: {  	_ =	shalt  }
0x5d: {  	_ =	shalt  }
0x5e: {  	_ =	shalt  }
0x5f: {  	_ =	shalt  }
0x60: {  	_ =	shalt  }
0x61: {  	_ =	shalt  }
0x62: {  	_ =	shalt  }
0x63: {  	_ =	shalt  }
0x64: {  	_ =	shalt  }
0x65: {  	_ =	shalt  }
0x66: {  	_ =	shalt  }
0x67: {  	_ =	shalt  }
0x68: {  	_ =	shalt  }
0x69: {  	_ =	shalt  }
0x6a: {  	_ =	shalt  }
0x6b: {  	_ =	shalt  }
0x6c: {  	_ =	shalt  }
0x6d: {  	_ =	shalt  }
0x6e: {  	_ =	shalt  }
0x6f: {  	_ =	shalt  }
0x70: {  	_ =	shalt  }
0x71: {  	_ =	shalt  }
0x72: {  	_ =	shalt  }
0x73: {  	_ =	shalt  }
0x74: {  	_ =	shalt  }
0x75: {  	_ =	shalt  }
0x76: {  	_ =	shalt  }
0x77: {  	_ =	shalt  }
0x78: {  	_ =	shalt  }
0x79: {  	_ =	shalt  }
0x7a: {  	_ =	shalt  }
0x7b: {  	_ =	shalt  }
0x7c: {  	_ =	shalt  }
0x7d: {  	_ =	shalt  }
0x7e: {  	_ =	shalt  }
0x7f: {  	_ =	shalt  }
0x80: {  	_ =	shalt  }
0x81: {  	_ =	shalt  }
0x82: {  	_ =	shalt  }
0x83: {  	_ =	shalt  }
0x84: {  	_ =	shalt  }
0x85: {  	_ =	shalt  }
0x86: {  	_ =	shalt  }
0x87: {  	_ =	shalt  }
.Lfunc_end0:
.L_simem_size_0:
called_computation_lowered:
.L_overlay_start_0:
0x88: {  	s2 =	sld [smem:$0x3FD9]  }
0x89: {  	s3 =	sld [smem:$0x3FFE];
	_ =	sdelay $0x1  }
0x8a: {  	s1 =	srdreg.scid  }
0x8b: {  	s0 =	sand.u32 $0x1, s1  }
0x8c: {  	s18 =	sshll.u32 s0, $0xA;
	s2 =	sadd.s32 s3, s2  }
0x8d: {  	s2 =	sadd.s32 s2, s18  }
0x8e: {  	[smem:$0x3FC5] =	sst s2  }
0x8f: {  	_ = 	snop  }
0x90: {  	s2 =	sld [smem:$0x3FC9]  }
0x91: {  	s19 =	sld [smem:$0x3FC8]  }
0x92: {  	s4 =	sld [smem:$0x3FC7]  }
0x93: {  	s5 =	sld [smem:$0x3FD0];
	(tm) =	ssettm $0x1  }
0x94: {  	s6 =	sld [smem:$0x3FFB];
	_ =	sdelay $0x3  }
0x95: {  	_ =	strace s6  }
0x96: {  	s6 =	sld [smem:$0x3FFC];
	_ =	sdelay $0x3  }
0x97: {  	_ =	strace s6  }
0x98: {  	s6 =	sld [smem:$0x3FFD];
	_ =	sdelay $0x3  }
0x99: {  	_ =	strace s6  }
0x9a: {  	_ =	strace $0x8FFFFFFF  }
0x9b: {  	s20 =	sld [smem:$0x3FDB];
	_ =	sdelay $0x1  }
0x9c: {  	s7 =	simm.s32 $_scs_section_size  }
0x9d: {  	s8 =	simm.s32 $_size__tile_overlayer_lowered;
	s9 =	simm.s32 $_tile_overlayer_lowered  }
0x9e: {  	s23 =	simm.s32 $0x1BFF;
	s22 =	sshll.u32 s9, $0x1;
	s6 =	sadd.s32 s7, s20  }
0x9f: {  	s10 =	simm.s32 $0x0;
	s21 =	sshll.u32 s8, $0x1;
	s8 =	sadd.s32 s22, s6  }
0xa0: {  	[timem:s10], [sflag:s23] =	dma.local [hbm:s8], s21  }
0xa1: {  	_ =	swait.ge [sflag:s23], s21  }
0xa2: {  	s7 =	ssub.s32 $0x0, s21;
	[sflag:s23] =	ssyncset.done $0x0  }
0xa3: {  	[sflag:s23] =	ssyncadd.s32 s7;
	_ =	sdelay $0x1  }
0xa4: {  	s24 =	simm.s32 $0x1B8B  }
0xa5: {  	_ =	swait.ge [sflag:s24], $0x1  }
0xa6: {  	[sflag:s24] =	ssyncset.done $0x0  }
0xa7: {  	s25 =	simm.s32 $0x1B8E;
	[sflag:s24] =	ssyncadd.s32 $0xFFFFFFFF  }
0xa8: {  	s26 =	simm.s32 $execute0_lowered;
	[smem:$0x3FD2] =	sst s25  }
0xa9: {  	s7 =	sshll.u32 s26, $0x1;
	_ =	strace $0x80000046;
	[dreg:$0x1] =	wrdreg $0xFFFFFFFF  }
0xaa: {  	s28 =	simm.s32 $_size_execute0_lowered;
	s6 =	sadd.s32 s6, s7;
	[dreg:$0x0] =	wrdreg $0x0  }
0xab: {  	s7 =	sshll.u32 s28, $0x1;
	[dreg:$0x2] =	wrdreg s6  }
0xac: {  	[dreg:$0x3] =	wrdreg s7  }
0xad: {  	[dreg:$0x4] =	wrdreg $0xC0  }
0xae: {  	_ =	task [dreg:s10], $0x5FFFF  }
0xaf: {  	[dreg:$0x1] =	wrdreg $0xFFFFFFFF  }
0xb0: {  	[dreg:$0x0] =	wrdreg $0x60  }
0xb1: {  	[dreg:$0x2] =	wrdreg s4  }
0xb2: {  	[dreg:$0x3] =	wrdreg s2  }
0xb3: {  	[dreg:$0x4] =	wrdreg s19  }
0xb4: {  	[dreg:$0x5] =	wrdreg s5  }
0xb5: {  	[dreg:$0x6] =	wrdreg $0x9  }
0xb6: {  	_ =	task.clear_ibuf [dreg:s10], $0x7FFFF;
	_ =	strace $0x90000046  }
0xb7: {  	s29 =	simm.s32 $0x9;
	_ =	strace $0x80000048  }
0xb8: {  	_ =	swait.ge [sflag:s29], $0x1  }
0xb9: {  	[sflag:s29] =	ssyncadd.s32 $0xFFFFFFFF  }
0xba: {  	_ =	strace $0x90000048  }
0xbb: {  	_ =	sfence  }
0xbc: {  	s30 =	sld [smem:$0x0];
	_ =	sdelay $0x2  }
0xbd: {  	s31 =	sshll.u32 s1, $0xD;
	s1 =	sshrl.u32 s1, $0x2  }
0xbe: {  	s3 =	sand.u32 $0x4000, s31;
	s1 =	sadd.s32 s1, s30  }
0xbf: {  	s0 =	sor.u32 s3, s0;
	s1 =	sshll.u32 s1, $0x11  }
0xc0: {  	s0 =	sor.u32 s1, s0  }
0xc1: {  	s0 =	sadd.s32 $0x8F2B, s0  }
0xc2: {  	[sflag:s0] =	ssyncadd.remote.s32 $0x1  }
0xc3: {  	_ =	sfence.sel $0xFFFF  }
0xc4: {  	[dreg:$0x0] =	wrdreg $0xFFFFFFFF;
	(pc) =	sbr.abs _section_cstart, $3  }
0xc5: {  	[dreg:$0x1] =	wrdreg $0xFFFFFFFF  }
0xc6: {  	_ =	task.clear_ibuf [dreg:s10], $0x2FFFF;
	_ =	strace $0x9FFFFFFF  }
0xc7: {  	(tm) =	ssettm $0x7FFFFFFF  }
tec
execute0_lowered:
.L_overlay_start_1:
0x0: {  	(tag) =	ssettag $0x1  }
0x1: {  	s1 =	rddreg [dreg:$0x0]  }
0x2: {  	s0 =	rddreg [dreg:$0x1]  }
0x3: {  	s2 =	rddreg [dreg:$0x2]  }
0x4: {  	s4 =	rddreg [dreg:$0x3]  }
0x5: {  	s5 =	srdreg.scid;
	s3 =	simm.s32 $0x0;
	s6 =	stileid.u32  }
0x6: {  	s15 =	simm.s32 $0x9;
	s16 =	simm.s32 $0x80;
	s17 =	simm.s32 $0x200  }
0x7: {  	s21 =	simm.s32 $0xC200;
	s22 =	simm.s32 $0x10200;
	s23 =	simm.s32 $0x14200  }
0x8: {  	s24 =	simm.s32 $0x18200;
	s25 =	simm.s32 $0x1;
	s29 =	simm.s32 $0x2  }
0x9: {  	s30 =	simm.s32 $0x5;
	s31 =	simm.s32 $0x3;
	s19 =	simm.s32 $0x8  }
0xa: {  	s20 =	simm.s32 $0x0;
	s5 =	sand.u32 $0x1, s5;
	[smem:$0x7FF] =	sst s3  }
0xb: {  	s6 =	sshll.u32 s6, $0xA;
	s7 =	sshll.u32 s5, $0x9;
	s5 =	ssub.s32 $0x2, s5  }
0xc: {  	_ =	strace $0x80000047;
	s6 =	sor.u32 s7, s6;
	s26 =	sshrl.u32 s5, $0x1  }
0xd: {  	s8 =	sshrl.u32 s6, $0x3;
	s9 =	sshll.u32 s6, $0x4;
	s14 =	ssub.s32 s5, s26  }
0xe: {  	s26 =	simm.s32 $0x4;
	s2 =	sadd.s32 s2, s8;
	s5 =	sadd.s32 s0, s9  }
0xf: {  	s28 =	sor.u32 $0x800, s9;
	s11 =	sor.u32 $0x1000, s9;
	s12 =	sor.u32 $0x1800, s9  }
0x10: {  	s9 =	sadd.s32 s4, s9;
	s14 =	smax.u32 s14, $0x1;
	[dreg:$0x5] =	wrdreg s2  }
0x11: {  	s6 =	sadd.s32 s0, s28;
	s7 =	sadd.s32 s0, s11;
	s8 =	sadd.s32 s0, s12  }
0x12: {  	s10 =	sadd.s32 s4, s28;
	s11 =	sadd.s32 s4, s11;
	s12 =	sadd.s32 s4, s12  }
0x13: {  	s13 =	sadd.s32 $0x1C00, s9;
	s0 =	simm.s32 $0x6;
	s2 =	simm.s32 $0x7  }
.LBB2_1:
0x14: {  	s4 =	rddreg [dreg:$0x5]  }
0x15: {  	[tilespmem:s3], [sflag:$0x9] =	stream.linear.gather [hbm4b:s4+s3], $0x200, $0x38;
	[tilespmem:$0x1C200] =	vst v63  }
0x16: {  	_ =	swait.ge [sflag:s15], $0x200  }
0x17: {  	[sflag:s15] =	ssyncset.done $0x0  }
0x18: {  	[sflag:s15] =	ssyncadd.s32 $0xFFFFFE00  }
0x19: {  	[tilespmem:s17], [sflag:$0x1] =	stream.indirect.gather [hbm4b:s1+s16], $0x80, s3, s16, $0xb8;
	[tilespmem:$0x1C200] =	vst v63  }
0x1a: {  	s18 =	simm.s32 $0x4200  }
0x1b: {  	[tilespmem:s18], [sflag:$0x2] =	stream.indirect.gather [hbm4b:s1+s16], $0x80, s16, s16, $0xb8;
	[tilespmem:$0x1C200] =	vst v63  }
0x1c: {  	s4 =	simm.s32 $0x100;
	s18 =	simm.s32 $0x8200  }
0x1d: {  	[tilespmem:s18], [sflag:$0x3] =	stream.indirect.gather [hbm4b:s1+s16], $0x80, s4, s16, $0xb8;
	[tilespmem:$0x1C200] =	vst v63  }
0x1e: {  	_ = 	snop  }
0x1f: {  	[tilespmem:s21], [sflag:$0x4] =	stream.linear.gather [hbm4b:s5+s3], $0x4000, $0x38;
	[tilespmem:$0x1C200] =	vst v63  }
0x20: {  	_ = 	snop  }
0x21: {  	[tilespmem:s22], [sflag:$0x5] =	stream.linear.gather [hbm4b:s6+s3], $0x4000, $0x38;
	[tilespmem:$0x1C200] =	vst v63  }
0x22: {  	_ = 	snop  }
0x23: {  	[tilespmem:s23], [sflag:$0x6] =	stream.linear.gather [hbm4b:s7+s3], $0x4000, $0x38;
	[tilespmem:$0x1C200] =	vst v63  }
0x24: {  	_ = 	snop  }
0x25: {  	[tilespmem:s24], [sflag:$0x7] =	stream.linear.gather [hbm4b:s8+s3], $0x4000, $0x38;
	[tilespmem:$0x1C200] =	vst v63  }
0x26: {  	_ =	swait.ge [sflag:s25], $0x4000  }
0x27: {  	[sflag:s25] =	ssyncset.done $0x0  }
0x28: {  	[sflag:s25] =	ssyncadd.s32 $0xFFFFC000  }
0x29: {  	_ =	swait.ge [sflag:s26], $0x4000  }
0x2a: {  	[sflag:s26] =	ssyncset.done $0x0  }
0x2b: {  	s28 =	simm.s32 $0x0;
	[sflag:s26] =	ssyncadd.s32 $0xFFFFC000  }
0x2c: {  	v0 =	vld [tilespmem:s28+$0x270]  }
0x2d: {  	v1 =	vld [tilespmem:s28+$0xC270]  }
0x2e: {  	v2 =	vld [tilespmem:s28+$0x200]  }
0x2f: {  	v3 =	vld [tilespmem:s28+$0xC200]  }
0x30: {  	v4 =	vld [tilespmem:s28+$0x210]  }
0x31: {  	v5 =	vld [tilespmem:s28+$0xC210]  }
0x32: {  	v6 =	vld [tilespmem:s28+$0x220]  }
0x33: {  	v7 =	vld [tilespmem:s28+$0x230]  }
0x34: {  	v0 =	vmul.f32 v1, v0;
	v1 =	vld [tilespmem:s28+$0xC220]  }
0x35: {  	v2 =	vmul.f32 v3, v2;
	v3 =	vld [tilespmem:s28+$0xC230]  }
0x36: {  	v8 =	vld [tilespmem:s28+$0xC240]  }
0x37: {  	[tilespmem:s28+$0xC270] =	vst v0;
	v0 =	vmul.f32 v5, v4;
	v4 =	vld [tilespmem:s28+$0x240]  }
0x38: {  	[tilespmem:s28+$0xC200] =	vst v2;
	v2 =	vld [tilespmem:s28+$0xC250]  }
0x39: {  	[tilespmem:s28+$0xC210] =	vst v0;
	v0 =	vld [tilespmem:s28+$0x250];
	v1 =	vmul.f32 v1, v6  }
0x3a: {  	v6 =	vmul.f32 v3, v7;
	v3 =	vld [tilespmem:s28+$0xC260]  }
0x3b: {  	s18 =	simm.s32 $0x80;
	[tilespmem:s28+$0xC220] =	vst v1;
	v1 =	vld [tilespmem:s28+$0x260]  }
0x3c: {  	s4 =	simm.s32 $0x400;
	v5 =	vld [tilespmem:s18+$0x270];
	[tilespmem:s28+$0xC230] =	vst v6;
	v4 =	vmul.f32 v8, v4  }
.LBB2_2:
0x3d: {  	p0 =	sne.s32 s4, $0xFE00;
	v6 =	vld [tilespmem:s18+$0xC270]  }
0x3e: {  	v7 =	vld [tilespmem:s18+$0x200];
	[tilespmem:s28+$0xC240] =	vst v4;
	v0 =	vmul.f32 v2, v0  }
0x3f: {  	v2 =	vld [tilespmem:s18+$0xC200]  }
0x40: {  	v4 =	vld [tilespmem:s18+$0x210];
	[tilespmem:s28+$0xC250] =	vst v0;
	v0 =	vmul.f32 v3, v1  }
0x41: {  	v1 =	vld [tilespmem:s18+$0xC210]  }
0x42: {  	v3 =	vld [tilespmem:s18+$0x220];
	v5 =	vmul.f32 v6, v5;
	[tilespmem:s28+$0xC260] =	vst v0;
	s28 =	smov.u32 s18  }
0x43: {  	v0 =	vld [tilespmem:s28+$0xC220]  }
0x44: {  	v2 =	vmul.f32 v2, v7;
	v6 =	vld [tilespmem:s28+$0x230];
	[tilespmem:s28+$0xC270] =	vst v5  }
0x45: {  	v5 =	vld [tilespmem:s28+$0xC230]  }
0x46: {  	[tilespmem:s28+$0xC200] =	vst v2;
	v1 =	vmul.f32 v1, v4;
	v4 =	vld [tilespmem:s28+$0x240]  }
0x47: {  	v7 =	vld [tilespmem:s28+$0xC240]  }
.Ltmp0:
0x48: {  	[tilespmem:s28+$0xC210] =	vst v1;
	v1 =	vmul.f32 v0, v3;
	v0 =	vld [tilespmem:s28+$0x250];
	(pc) =	sbr.rel @p0 .LBB2_2-.Ltmp0, $4  }
0x49: {  	v2 =	vld [tilespmem:s28+$0xC250]  }
0x4a: {  	[tilespmem:s28+$0xC220] =	vst v1;
	v6 =	vmul.f32 v5, v6;
	v1 =	vld [tilespmem:s28+$0x260]  }
0x4b: {  	s18 =	sshra.s32 s4, $0x2;
	v3 =	vld [tilespmem:s28+$0xC260]  }
0x4c: {  	s4 =	sadd.s32 $0x200, s4;
	v5 =	vld [tilespmem:s18+$0x270];
	[tilespmem:s28+$0xC230] =	vst v6;
	v4 =	vmul.f32 v7, v4  }
0x4d: {  	v6 =	vld [tilespmem:s18+$0xC270]  }
0x4e: {  	v7 =	vld [tilespmem:s18+$0x200]  }
0x4f: {  	v8 =	vld [tilespmem:s18+$0xC200]  }
0x50: {  	v9 =	vld [tilespmem:s18+$0x210]  }
0x51: {  	v10 =	vld [tilespmem:s18+$0xC210]  }
0x52: {  	v11 =	vld [tilespmem:s18+$0x220]  }
0x53: {  	v12 =	vld [tilespmem:s18+$0x230]  }
0x54: {  	v5 =	vmul.f32 v6, v5;
	v6 =	vld [tilespmem:s18+$0xC220]  }
0x55: {  	v60 =	vld [tilespmem:s18+$0x240]  }
0x56: {  	v61 =	vld [tilespmem:s18+$0xC240];
	v7 =	vmul.f32 v8, v7  }
0x57: {  	v62 =	vld [tilespmem:s18+$0xC250];
	[tilespmem:s18+$0xC270] =	vst v5  }
0x58: {  	v5 =	vld [tilespmem:s18+$0xC230];
	[tilespmem:s18+$0xC200] =	vst v7;
	v7 =	vmul.f32 v10, v9  }
0x59: {  	v0 =	vmul.f32 v2, v0;
	v2 =	vld [tilespmem:s18+$0xC260];
	v6 =	vmul.f32 v6, v11  }
0x5a: {  	[tilespmem:s18+$0xC210] =	vst v7;
	v7 =	vld [tilespmem:s18+$0x250]  }
0x5b: {  	[tilespmem:s18+$0xC220] =	vst v6;
	v6 =	vld [tilespmem:s18+$0x260]  }
0x5c: {  	[tilespmem:s28+$0xC240] =	vst v4;
	v1 =	vmul.f32 v3, v1  }
0x5d: {  	[tilespmem:s28+$0xC250] =	vst v0;
	v0 =	vmul.f32 v5, v12  }
0x5e: {  	[tilespmem:s28+$0xC260] =	vst v1;
	v1 =	vmul.f32 v61, v60  }
0x5f: {  	[tilespmem:s18+$0xC230] =	vst v0;
	v0 =	vmul.f32 v62, v7  }
0x60: {  	[tilespmem:s18+$0xC240] =	vst v1;
	v1 =	vmul.f32 v2, v6  }
0x61: {  	[tilespmem:s18+$0xC250] =	vst v0  }
0x62: {  	s4 =	simm.s32 $0x0;
	[tilespmem:s18+$0xC260] =	vst v1  }
0x63: {  	[hbm4b:s9+s4] =	stream.linear.scatter [tilespmem:s21], [sflag:$0x8], $0x4000, $0x38;
	[tilespmem:$0x1C200] =	vst v63  }
0x64: {  	s18 =	simm.s32 $0x180  }
0x65: {  	[tilespmem:s17], [sflag:$0x1] =	stream.indirect.gather [hbm4b:s1+s16], $0x80, s18, s16, $0xb8;
	[tilespmem:$0x1C200] =	vst v63  }
0x66: {  	_ =	swait.ge [sflag:s29], $0x4000  }
0x67: {  	[sflag:s29] =	ssyncset.done $0x0  }
0x68: {  	[sflag:s29] =	ssyncadd.s32 $0xFFFFC000  }
0x69: {  	_ =	swait.ge [sflag:s30], $0x4000  }
0x6a: {  	[sflag:s30] =	ssyncset.done $0x0  }
0x6b: {  	s28 =	simm.s32 $0x0;
	[sflag:s30] =	ssyncadd.s32 $0xFFFFC000  }
0x6c: {  	v0 =	vld [tilespmem:s28+$0x4270]  }
0x6d: {  	v1 =	vld [tilespmem:s28+$0x10270]  }
0x6e: {  	v2 =	vld [tilespmem:s28+$0x4200]  }
0x6f: {  	v3 =	vld [tilespmem:s28+$0x10200]  }
0x70: {  	v4 =	vld [tilespmem:s28+$0x4210]  }
0x71: {  	v5 =	vld [tilespmem:s28+$0x10210]  }
0x72: {  	v6 =	vld [tilespmem:s28+$0x4220]  }
0x73: {  	v7 =	vld [tilespmem:s28+$0x4230]  }
0x74: {  	v0 =	vmul.f32 v1, v0;
	v1 =	vld [tilespmem:s28+$0x10220]  }
0x75: {  	v2 =	vmul.f32 v3, v2;
	v3 =	vld [tilespmem:s28+$0x10230]  }
0x76: {  	v63 =	vld [tilespmem:s28+$0x10240]  }
0x77: {  	[tilespmem:s28+$0x10270] =	vst v0;
	v0 =	vmul.f32 v5, v4;
	v4 =	vld [tilespmem:s28+$0x4240]  }
0x78: {  	[tilespmem:s28+$0x10200] =	vst v2;
	v2 =	vld [tilespmem:s28+$0x10250]  }
0x79: {  	[tilespmem:s28+$0x10210] =	vst v0;
	v0 =	vld [tilespmem:s28+$0x4250];
	v1 =	vmul.f32 v1, v6  }
0x7a: {  	v6 =	vmul.f32 v3, v7;
	v3 =	vld [tilespmem:s28+$0x10260]  }
0x7b: {  	s18 =	simm.s32 $0x80;
	[tilespmem:s28+$0x10220] =	vst v1;
	v1 =	vld [tilespmem:s28+$0x4260]  }
0x7c: {  	s4 =	simm.s32 $0x400;
	v5 =	vld [tilespmem:s18+$0x4270];
	[tilespmem:s28+$0x10230] =	vst v6;
	v4 =	vmul.f32 v63, v4  }
.LBB2_4:
0x7d: {  	p0 =	sne.s32 s4, $0xFE00;
	v6 =	vld [tilespmem:s18+$0x10270]  }
0x7e: {  	v7 =	vld [tilespmem:s18+$0x4200];
	[tilespmem:s28+$0x10240] =	vst v4;
	v0 =	vmul.f32 v2, v0  }
0x7f: {  	v2 =	vld [tilespmem:s18+$0x10200]  }
0x80: {  	v4 =	vld [tilespmem:s18+$0x4210];
	[tilespmem:s28+$0x10250] =	vst v0;
	v0 =	vmul.f32 v3, v1  }
0x81: {  	v1 =	vld [tilespmem:s18+$0x10210]  }
0x82: {  	v3 =	vld [tilespmem:s18+$0x4220];
	v5 =	vmul.f32 v6, v5;
	[tilespmem:s28+$0x10260] =	vst v0;
	s28 =	smov.u32 s18  }
0x83: {  	v0 =	vld [tilespmem:s28+$0x10220]  }
0x84: {  	v2 =	vmul.f32 v2, v7;
	v6 =	vld [tilespmem:s28+$0x4230];
	[tilespmem:s28+$0x10270] =	vst v5  }
0x85: {  	v5 =	vld [tilespmem:s28+$0x10230]  }
0x86: {  	[tilespmem:s28+$0x10200] =	vst v2;
	v1 =	vmul.f32 v1, v4;
	v4 =	vld [tilespmem:s28+$0x4240]  }
0x87: {  	v7 =	vld [tilespmem:s28+$0x10240]  }
.Ltmp1:
0x88: {  	[tilespmem:s28+$0x10210] =	vst v1;
	v1 =	vmul.f32 v0, v3;
	v0 =	vld [tilespmem:s28+$0x4250];
	(pc) =	sbr.rel @p0 .LBB2_4-.Ltmp1, $4  }
0x89: {  	v2 =	vld [tilespmem:s28+$0x10250]  }
0x8a: {  	[tilespmem:s28+$0x10220] =	vst v1;
	v6 =	vmul.f32 v5, v6;
	v1 =	vld [tilespmem:s28+$0x4260]  }
0x8b: {  	s18 =	sshra.s32 s4, $0x2;
	v3 =	vld [tilespmem:s28+$0x10260]  }
0x8c: {  	s4 =	sadd.s32 $0x200, s4;
	v5 =	vld [tilespmem:s18+$0x4270];
	[tilespmem:s28+$0x10230] =	vst v6;
	v4 =	vmul.f32 v7, v4  }
0x8d: {  	v6 =	vld [tilespmem:s18+$0x10270]  }
0x8e: {  	v7 =	vld [tilespmem:s18+$0x4200]  }
0x8f: {  	v8 =	vld [tilespmem:s18+$0x10200]  }
0x90: {  	v9 =	vld [tilespmem:s18+$0x4210]  }
0x91: {  	v10 =	vld [tilespmem:s18+$0x10210]  }
0x92: {  	v11 =	vld [tilespmem:s18+$0x4220]  }
0x93: {  	v12 =	vld [tilespmem:s18+$0x4230]  }
0x94: {  	v5 =	vmul.f32 v6, v5;
	v6 =	vld [tilespmem:s18+$0x10220]  }
0x95: {  	v60 =	vld [tilespmem:s18+$0x4240]  }
0x96: {  	v61 =	vld [tilespmem:s18+$0x10240];
	v7 =	vmul.f32 v8, v7  }
0x97: {  	v62 =	vld [tilespmem:s18+$0x10250];
	[tilespmem:s18+$0x10270] =	vst v5  }
0x98: {  	v5 =	vld [tilespmem:s18+$0x10230];
	[tilespmem:s18+$0x10200] =	vst v7;
	v7 =	vmul.f32 v10, v9  }
0x99: {  	v0 =	vmul.f32 v2, v0;
	v2 =	vld [tilespmem:s18+$0x10260];
	v6 =	vmul.f32 v6, v11  }
0x9a: {  	[tilespmem:s18+$0x10210] =	vst v7;
	v7 =	vld [tilespmem:s18+$0x4250]  }
0x9b: {  	[tilespmem:s18+$0x10220] =	vst v6;
	v6 =	vld [tilespmem:s18+$0x4260]  }
0x9c: {  	[tilespmem:s28+$0x10240] =	vst v4;
	v1 =	vmul.f32 v3, v1  }
0x9d: {  	[tilespmem:s28+$0x10250] =	vst v0;
	v0 =	vmul.f32 v5, v12  }
0x9e: {  	[tilespmem:s28+$0x10260] =	vst v1;
	v1 =	vmul.f32 v61, v60  }
0x9f: {  	[tilespmem:s18+$0x10230] =	vst v0;
	v0 =	vmul.f32 v62, v7  }
0xa0: {  	[tilespmem:s18+$0x10240] =	vst v1;
	v1 =	vmul.f32 v2, v6  }
0xa1: {  	[tilespmem:s18+$0x10250] =	vst v0  }
0xa2: {  	s4 =	simm.s32 $0x0;
	[tilespmem:s18+$0x10260] =	vst v1  }
0xa3: {  	[hbm4b:s10+s4] =	stream.linear.scatter [tilespmem:s22], [sflag:$0x8], $0x4000, $0x38;
	[tilespmem:$0x1C200] =	vst v63  }
0xa4: {  	_ =	swait.ge [sflag:s31], $0x4000  }
0xa5: {  	[sflag:s31] =	ssyncset.done $0x0  }
0xa6: {  	[sflag:s31] =	ssyncadd.s32 $0xFFFFC000  }
0xa7: {  	_ =	swait.ge [sflag:s0], $0x4000  }
0xa8: {  	[sflag:s0] =	ssyncset.done $0x0  }
0xa9: {  	s28 =	simm.s32 $0x0;
	[sflag:s0] =	ssyncadd.s32 $0xFFFFC000  }
0xaa: {  	v0 =	vld [tilespmem:s28+$0x8270]  }
0xab: {  	v1 =	vld [tilespmem:s28+$0x14270]  }
0xac: {  	v2 =	vld [tilespmem:s28+$0x8200]  }
0xad: {  	v3 =	vld [tilespmem:s28+$0x14200]  }
0xae: {  	v4 =	vld [tilespmem:s28+$0x8210]  }
0xaf: {  	v5 =	vld [tilespmem:s28+$0x14210]  }
0xb0: {  	v6 =	vld [tilespmem:s28+$0x8220]  }
0xb1: {  	v7 =	vld [tilespmem:s28+$0x8230]  }
0xb2: {  	v0 =	vmul.f32 v1, v0;
	v1 =	vld [tilespmem:s28+$0x14220]  }
0xb3: {  	v2 =	vmul.f32 v3, v2;
	v3 =	vld [tilespmem:s28+$0x14230]  }
0xb4: {  	v63 =	vld [tilespmem:s28+$0x14240]  }
0xb5: {  	[tilespmem:s28+$0x14270] =	vst v0;
	v0 =	vmul.f32 v5, v4;
	v4 =	vld [tilespmem:s28+$0x8240]  }
0xb6: {  	[tilespmem:s28+$0x14200] =	vst v2;
	v2 =	vld [tilespmem:s28+$0x14250]  }
0xb7: {  	[tilespmem:s28+$0x14210] =	vst v0;
	v0 =	vld [tilespmem:s28+$0x8250];
	v1 =	vmul.f32 v1, v6  }
0xb8: {  	v6 =	vmul.f32 v3, v7;
	v3 =	vld [tilespmem:s28+$0x14260]  }
0xb9: {  	s18 =	simm.s32 $0x80;
	[tilespmem:s28+$0x14220] =	vst v1;
	v1 =	vld [tilespmem:s28+$0x8260]  }
0xba: {  	s4 =	simm.s32 $0x400;
	v5 =	vld [tilespmem:s18+$0x8270];
	[tilespmem:s28+$0x14230] =	vst v6;
	v4 =	vmul.f32 v63, v4  }
.LBB2_6:
0xbb: {  	p0 =	sne.s32 s4, $0xFE00;
	v6 =	vld [tilespmem:s18+$0x14270]  }
0xbc: {  	v7 =	vld [tilespmem:s18+$0x8200];
	[tilespmem:s28+$0x14240] =	vst v4;
	v0 =	vmul.f32 v2, v0  }
0xbd: {  	v2 =	vld [tilespmem:s18+$0x14200]  }
0xbe: {  	v4 =	vld [tilespmem:s18+$0x8210];
	[tilespmem:s28+$0x14250] =	vst v0;
	v0 =	vmul.f32 v3, v1  }
0xbf: {  	v1 =	vld [tilespmem:s18+$0x14210]  }
0xc0: {  	v3 =	vld [tilespmem:s18+$0x8220];
	v5 =	vmul.f32 v6, v5;
	[tilespmem:s28+$0x14260] =	vst v0;
	s28 =	smov.u32 s18  }
0xc1: {  	v0 =	vld [tilespmem:s28+$0x14220]  }
0xc2: {  	v2 =	vmul.f32 v2, v7;
	v6 =	vld [tilespmem:s28+$0x8230];
	[tilespmem:s28+$0x14270] =	vst v5  }
0xc3: {  	v5 =	vld [tilespmem:s28+$0x14230]  }
0xc4: {  	[tilespmem:s28+$0x14200] =	vst v2;
	v1 =	vmul.f32 v1, v4;
	v4 =	vld [tilespmem:s28+$0x8240]  }
0xc5: {  	v7 =	vld [tilespmem:s28+$0x14240]  }
.Ltmp2:
0xc6: {  	[tilespmem:s28+$0x14210] =	vst v1;
	v1 =	vmul.f32 v0, v3;
	v0 =	vld [tilespmem:s28+$0x8250];
	(pc) =	sbr.rel @p0 .LBB2_6-.Ltmp2, $4  }
0xc7: {  	v2 =	vld [tilespmem:s28+$0x14250]  }
0xc8: {  	[tilespmem:s28+$0x14220] =	vst v1;
	v6 =	vmul.f32 v5, v6;
	v1 =	vld [tilespmem:s28+$0x8260]  }
0xc9: {  	s18 =	sshra.s32 s4, $0x2;
	v3 =	vld [tilespmem:s28+$0x14260]  }
0xca: {  	s4 =	sadd.s32 $0x200, s4;
	v5 =	vld [tilespmem:s18+$0x8270];
	[tilespmem:s28+$0x14230] =	vst v6;
	v4 =	vmul.f32 v7, v4  }
0xcb: {  	v6 =	vld [tilespmem:s18+$0x14270]  }
0xcc: {  	v7 =	vld [tilespmem:s18+$0x8200]  }
0xcd: {  	v8 =	vld [tilespmem:s18+$0x14200]  }
0xce: {  	v9 =	vld [tilespmem:s18+$0x8210]  }
0xcf: {  	v10 =	vld [tilespmem:s18+$0x14210]  }
0xd0: {  	v11 =	vld [tilespmem:s18+$0x8220]  }
0xd1: {  	v12 =	vld [tilespmem:s18+$0x8230]  }
0xd2: {  	v5 =	vmul.f32 v6, v5;
	v6 =	vld [tilespmem:s18+$0x14220]  }
0xd3: {  	v60 =	vld [tilespmem:s18+$0x8240]  }
0xd4: {  	v61 =	vld [tilespmem:s18+$0x14240];
	v7 =	vmul.f32 v8, v7  }
0xd5: {  	v62 =	vld [tilespmem:s18+$0x14250];
	[tilespmem:s18+$0x14270] =	vst v5  }
0xd6: {  	v5 =	vld [tilespmem:s18+$0x14230];
	[tilespmem:s18+$0x14200] =	vst v7;
	v7 =	vmul.f32 v10, v9  }
0xd7: {  	v0 =	vmul.f32 v2, v0;
	v2 =	vld [tilespmem:s18+$0x14260];
	v6 =	vmul.f32 v6, v11  }
0xd8: {  	[tilespmem:s18+$0x14210] =	vst v7;
	v7 =	vld [tilespmem:s18+$0x8250]  }
0xd9: {  	[tilespmem:s18+$0x14220] =	vst v6;
	v6 =	vld [tilespmem:s18+$0x8260]  }
0xda: {  	[tilespmem:s28+$0x14240] =	vst v4;
	v1 =	vmul.f32 v3, v1  }
0xdb: {  	[tilespmem:s28+$0x14250] =	vst v0;
	v0 =	vmul.f32 v5, v12  }
0xdc: {  	[tilespmem:s28+$0x14260] =	vst v1;
	v1 =	vmul.f32 v61, v60  }
0xdd: {  	[tilespmem:s18+$0x14230] =	vst v0;
	v0 =	vmul.f32 v62, v7  }
0xde: {  	[tilespmem:s18+$0x14240] =	vst v1;
	v1 =	vmul.f32 v2, v6  }
0xdf: {  	[tilespmem:s18+$0x14250] =	vst v0  }
0xe0: {  	s4 =	simm.s32 $0x0;
	[tilespmem:s18+$0x14260] =	vst v1  }
0xe1: {  	[hbm4b:s11+s4] =	stream.linear.scatter [tilespmem:s23], [sflag:$0x8], $0x4000, $0x38;
	[tilespmem:$0x1C200] =	vst v63  }
0xe2: {  	_ =	swait.ge [sflag:s25], $0x4000  }
0xe3: {  	[sflag:s25] =	ssyncset.done $0x0  }
0xe4: {  	[sflag:s25] =	ssyncadd.s32 $0xFFFFC000  }
0xe5: {  	_ =	swait.ge [sflag:s2], $0x4000  }
0xe6: {  	[sflag:s2] =	ssyncset.done $0x0  }
0xe7: {  	s28 =	simm.s32 $0x0;
	[sflag:s2] =	ssyncadd.s32 $0xFFFFC000  }
0xe8: {  	v0 =	vld [tilespmem:s28+$0x270]  }
0xe9: {  	v1 =	vld [tilespmem:s28+$0x18270]  }
0xea: {  	v2 =	vld [tilespmem:s28+$0x200]  }
0xeb: {  	v3 =	vld [tilespmem:s28+$0x18200]  }
0xec: {  	v4 =	vld [tilespmem:s28+$0x210]  }
0xed: {  	v5 =	vld [tilespmem:s28+$0x18210]  }
0xee: {  	v6 =	vld [tilespmem:s28+$0x220]  }
0xef: {  	v7 =	vld [tilespmem:s28+$0x230]  }
0xf0: {  	v0 =	vmul.f32 v1, v0;
	v1 =	vld [tilespmem:s28+$0x18220]  }
0xf1: {  	v2 =	vmul.f32 v3, v2;
	v3 =	vld [tilespmem:s28+$0x18230]  }
0xf2: {  	v63 =	vld [tilespmem:s28+$0x18240]  }
0xf3: {  	[tilespmem:s28+$0x18270] =	vst v0;
	v0 =	vmul.f32 v5, v4;
	v4 =	vld [tilespmem:s28+$0x240]  }
0xf4: {  	[tilespmem:s28+$0x18200] =	vst v2;
	v2 =	vld [tilespmem:s28+$0x18250]  }
0xf5: {  	[tilespmem:s28+$0x18210] =	vst v0;
	v0 =	vld [tilespmem:s28+$0x250];
	v1 =	vmul.f32 v1, v6  }
0xf6: {  	v6 =	vmul.f32 v3, v7;
	v3 =	vld [tilespmem:s28+$0x18260]  }
0xf7: {  	s18 =	simm.s32 $0x80;
	[tilespmem:s28+$0x18220] =	vst v1;
	v1 =	vld [tilespmem:s28+$0x260]  }
0xf8: {  	s4 =	simm.s32 $0x400;
	v5 =	vld [tilespmem:s18+$0x270];
	[tilespmem:s28+$0x18230] =	vst v6;
	v4 =	vmul.f32 v63, v4  }
.LBB2_8:
0xf9: {  	p0 =	sne.s32 s4, $0x7E00;
	v6 =	vld [tilespmem:s18+$0x18270]  }
0xfa: {  	v7 =	vld [tilespmem:s18+$0x200];
	[tilespmem:s28+$0x18240] =	vst v4;
	v0 =	vmul.f32 v2, v0  }
0xfb: {  	v2 =	vld [tilespmem:s18+$0x18200]  }
0xfc: {  	v4 =	vld [tilespmem:s18+$0x210];
	[tilespmem:s28+$0x18250] =	vst v0;
	v0 =	vmul.f32 v3, v1  }
0xfd: {  	v1 =	vld [tilespmem:s18+$0x18210]  }
0xfe: {  	v3 =	vld [tilespmem:s18+$0x220];
	v5 =	vmul.f32 v6, v5;
	[tilespmem:s28+$0x18260] =	vst v0;
	s28 =	smov.u32 s18  }
0xff: {  	v0 =	vld [tilespmem:s28+$0x18220]  }
0x100: {  	v2 =	vmul.f32 v2, v7;
	v6 =	vld [tilespmem:s28+$0x230];
	[tilespmem:s28+$0x18270] =	vst v5  }
0x101: {  	v5 =	vld [tilespmem:s28+$0x18230]  }
0x102: {  	[tilespmem:s28+$0x18200] =	vst v2;
	v1 =	vmul.f32 v1, v4;
	v4 =	vld [tilespmem:s28+$0x240]  }
0x103: {  	v7 =	vld [tilespmem:s28+$0x18240]  }
.Ltmp3:
0x104: {  	[tilespmem:s28+$0x18210] =	vst v1;
	v1 =	vmul.f32 v0, v3;
	v0 =	vld [tilespmem:s28+$0x250];
	(pc) =	sbr.rel @p0 .LBB2_8-.Ltmp3, $4  }
0x105: {  	v2 =	vld [tilespmem:s28+$0x18250]  }
0x106: {  	[tilespmem:s28+$0x18220] =	vst v1;
	v6 =	vmul.f32 v5, v6;
	v1 =	vld [tilespmem:s28+$0x260]  }
0x107: {  	s18 =	sshra.s32 s4, $0x2;
	v3 =	vld [tilespmem:s28+$0x18260]  }
0x108: {  	s4 =	sadd.s32 $0x200, s4;
	v5 =	vld [tilespmem:s18+$0x270];
	[tilespmem:s28+$0x18230] =	vst v6;
	v4 =	vmul.f32 v7, v4  }
0x109: {  	v6 =	vld [tilespmem:s18+$0x18270]  }
0x10a: {  	v7 =	vld [tilespmem:s18+$0x200]  }
0x10b: {  	v8 =	vld [tilespmem:s18+$0x18200]  }
0x10c: {  	v9 =	vld [tilespmem:s18+$0x210]  }
0x10d: {  	v10 =	vld [tilespmem:s18+$0x18210]  }
0x10e: {  	v11 =	vld [tilespmem:s18+$0x220]  }
0x10f: {  	v12 =	vld [tilespmem:s18+$0x230]  }
0x110: {  	v5 =	vmul.f32 v6, v5;
	v6 =	vld [tilespmem:s18+$0x18220]  }
0x111: {  	v60 =	vld [tilespmem:s18+$0x240]  }
0x112: {  	v61 =	vld [tilespmem:s18+$0x18240];
	v7 =	vmul.f32 v8, v7  }
0x113: {  	v62 =	vld [tilespmem:s18+$0x18250];
	[tilespmem:s18+$0x18270] =	vst v5  }
0x114: {  	v5 =	vld [tilespmem:s18+$0x18230];
	[tilespmem:s18+$0x18200] =	vst v7;
	v7 =	vmul.f32 v10, v9  }
0x115: {  	v0 =	vmul.f32 v2, v0;
	v2 =	vld [tilespmem:s18+$0x18260];
	v6 =	vmul.f32 v6, v11  }
0x116: {  	[tilespmem:s18+$0x18210] =	vst v7;
	v7 =	vld [tilespmem:s18+$0x250]  }
0x117: {  	[tilespmem:s18+$0x18220] =	vst v6;
	v6 =	vld [tilespmem:s18+$0x260]  }
0x118: {  	[tilespmem:s28+$0x18240] =	vst v4;
	v1 =	vmul.f32 v3, v1  }
0x119: {  	[tilespmem:s28+$0x18250] =	vst v0;
	v0 =	vmul.f32 v5, v12  }
0x11a: {  	[tilespmem:s28+$0x18260] =	vst v1;
	v1 =	vmul.f32 v61, v60  }
0x11b: {  	[tilespmem:s18+$0x18230] =	vst v0;
	v0 =	vmul.f32 v62, v7  }
0x11c: {  	[tilespmem:s18+$0x18240] =	vst v1;
	v1 =	vmul.f32 v2, v6  }
0x11d: {  	[tilespmem:s18+$0x18250] =	vst v0  }
0x11e: {  	s4 =	simm.s32 $0x0;
	s28 =	simm.s32 $0x0;
	[tilespmem:s18+$0x18260] =	vst v1  }
0x11f: {  	[hbm4b:s12+s4] =	stream.linear.scatter [tilespmem:s24], [sflag:$0x8], $0x2000, $0x38;
	[tilespmem:$0x1C200] =	vst v63  }
0x120: {  	v0 =	vld [tilespmem:s28+$0x2270]  }
0x121: {  	v1 =	vld [tilespmem:s28+$0x1A270]  }
0x122: {  	v2 =	vld [tilespmem:s28+$0x2200]  }
0x123: {  	v3 =	vld [tilespmem:s28+$0x1A200]  }
0x124: {  	v4 =	vld [tilespmem:s28+$0x2210]  }
0x125: {  	v5 =	vld [tilespmem:s28+$0x1A210]  }
0x126: {  	v6 =	vld [tilespmem:s28+$0x2220]  }
0x127: {  	v7 =	vld [tilespmem:s28+$0x2230]  }
0x128: {  	v0 =	vmul.f32 v1, v0;
	v1 =	vld [tilespmem:s28+$0x1A220]  }
0x129: {  	v2 =	vmul.f32 v3, v2;
	v3 =	vld [tilespmem:s28+$0x1A230]  }
0x12a: {  	v63 =	vld [tilespmem:s28+$0x1A240]  }
0x12b: {  	[tilespmem:s28+$0x1A270] =	vst v0;
	v0 =	vmul.f32 v5, v4;
	v4 =	vld [tilespmem:s28+$0x2240]  }
0x12c: {  	[tilespmem:s28+$0x1A200] =	vst v2;
	v2 =	vld [tilespmem:s28+$0x1A250]  }
0x12d: {  	[tilespmem:s28+$0x1A210] =	vst v0;
	v0 =	vld [tilespmem:s28+$0x2250];
	v1 =	vmul.f32 v1, v6  }
0x12e: {  	v6 =	vmul.f32 v3, v7;
	v3 =	vld [tilespmem:s28+$0x1A260]  }
0x12f: {  	s18 =	simm.s32 $0x80;
	[tilespmem:s28+$0x1A220] =	vst v1;
	v1 =	vld [tilespmem:s28+$0x2260]  }
0x130: {  	s4 =	simm.s32 $0x400;
	v5 =	vld [tilespmem:s18+$0x2270];
	[tilespmem:s28+$0x1A230] =	vst v6;
	v4 =	vmul.f32 v63, v4  }
.LBB2_10:
0x131: {  	p0 =	sne.s32 s4, $0x7E00;
	v6 =	vld [tilespmem:s18+$0x1A270]  }
0x132: {  	v7 =	vld [tilespmem:s18+$0x2200];
	[tilespmem:s28+$0x1A240] =	vst v4;
	v0 =	vmul.f32 v2, v0  }
0x133: {  	v2 =	vld [tilespmem:s18+$0x1A200]  }
0x134: {  	v4 =	vld [tilespmem:s18+$0x2210];
	[tilespmem:s28+$0x1A250] =	vst v0;
	v0 =	vmul.f32 v3, v1  }
0x135: {  	v1 =	vld [tilespmem:s18+$0x1A210]  }
0x136: {  	v3 =	vld [tilespmem:s18+$0x2220];
	v5 =	vmul.f32 v6, v5;
	[tilespmem:s28+$0x1A260] =	vst v0;
	s28 =	smov.u32 s18  }
0x137: {  	v0 =	vld [tilespmem:s28+$0x1A220]  }
0x138: {  	v2 =	vmul.f32 v2, v7;
	v6 =	vld [tilespmem:s28+$0x2230];
	[tilespmem:s28+$0x1A270] =	vst v5  }
0x139: {  	v5 =	vld [tilespmem:s28+$0x1A230]  }
0x13a: {  	[tilespmem:s28+$0x1A200] =	vst v2;
	v1 =	vmul.f32 v1, v4;
	v4 =	vld [tilespmem:s28+$0x2240]  }
0x13b: {  	v7 =	vld [tilespmem:s28+$0x1A240]  }
.Ltmp4:
0x13c: {  	[tilespmem:s28+$0x1A210] =	vst v1;
	v1 =	vmul.f32 v0, v3;
	v0 =	vld [tilespmem:s28+$0x2250];
	(pc) =	sbr.rel @p0 .LBB2_10-.Ltmp4, $4  }
0x13d: {  	v2 =	vld [tilespmem:s28+$0x1A250]  }
0x13e: {  	[tilespmem:s28+$0x1A220] =	vst v1;
	v6 =	vmul.f32 v5, v6;
	v1 =	vld [tilespmem:s28+$0x2260]  }
0x13f: {  	s18 =	sshra.s32 s4, $0x2;
	v3 =	vld [tilespmem:s28+$0x1A260]  }
0x140: {  	s4 =	sadd.s32 $0x200, s4;
	v5 =	vld [tilespmem:s18+$0x2270];
	[tilespmem:s28+$0x1A230] =	vst v6;
	v4 =	vmul.f32 v7, v4  }
0x141: {  	v6 =	vld [tilespmem:s18+$0x1A270]  }
0x142: {  	v7 =	vld [tilespmem:s18+$0x2200]  }
0x143: {  	v8 =	vld [tilespmem:s18+$0x1A200]  }
0x144: {  	v9 =	vld [tilespmem:s18+$0x2210]  }
0x145: {  	v10 =	vld [tilespmem:s18+$0x1A210]  }
0x146: {  	v11 =	vld [tilespmem:s18+$0x2220]  }
0x147: {  	v51 =	vld [tilespmem:s18+$0x1A220]  }
0x148: {  	v12 =	vld [tilespmem:s18+$0x2230]  }
0x149: {  	v52 =	vld [tilespmem:s18+$0x1A230]  }
0x14a: {  	v54 =	vld [tilespmem:s18+$0x2240]  }
0x14b: {  	v55 =	vld [tilespmem:s18+$0x1A240];
	v0 =	vmul.f32 v2, v0  }
0x14c: {  	v56 =	vld [tilespmem:s18+$0x2250];
	[tilespmem:s28+$0x1A240] =	vst v4;
	v1 =	vmul.f32 v3, v1  }
0x14d: {  	v57 =	vld [tilespmem:s18+$0x1A250];
	[tilespmem:s28+$0x1A250] =	vst v0;
	v5 =	vmul.f32 v6, v5  }
0x14e: {  	v58 =	vld [tilespmem:s18+$0x2260];
	v7 =	vmul.f32 v8, v7;
	[tilespmem:s28+$0x1A260] =	vst v1  }
0x14f: {  	v59 =	vld [tilespmem:s18+$0x1A260];
	v53 =	vmul.f32 v10, v9;
	[tilespmem:s18+$0x1A270] =	vst v5  }
0x150: {  	v6 =	vmul.f32 v51, v11;
	[tilespmem:s18+$0x1A200] =	vst v7  }
0x151: {  	v60 =	vmul.f32 v52, v12;
	[tilespmem:s18+$0x1A210] =	vst v53  }
0x152: {  	v61 =	vmul.f32 v55, v54;
	[tilespmem:s18+$0x1A220] =	vst v6  }
0x153: {  	v62 =	vmul.f32 v57, v56;
	[tilespmem:s18+$0x1A230] =	vst v60  }
0x154: {  	v63 =	vmul.f32 v59, v58;
	[tilespmem:s18+$0x1A240] =	vst v61  }
0x155: {  	[tilespmem:s18+$0x1A250] =	vst v62  }
0x156: {  	s4 =	simm.s32 $0x1A200;
	[tilespmem:s18+$0x1A260] =	vst v63  }
0x157: {  	[hbm4b:s13+s3] =	stream.linear.scatter [tilespmem:s4], [sflag:$0x8], $0x2000, $0x38;
	[tilespmem:$0x1C200] =	vst v63  }
0x158: {  	_ =	swait.ge [sflag:s19], $0x4000  }
0x159: {  	[sflag:s19] =	ssyncset.done $0x0  }
0x15a: {  	[sflag:s19] =	ssyncadd.s32 $0xFFFFC000  }
0x15b: {  	_ =	swait.ge [sflag:s19], $0x4000  }
0x15c: {  	[sflag:s19] =	ssyncset.done $0x0  }
0x15d: {  	[sflag:s19] =	ssyncadd.s32 $0xFFFFC000  }
0x15e: {  	_ =	swait.ge [sflag:s19], $0x4000  }
0x15f: {  	[sflag:s19] =	ssyncset.done $0x0  }
0x160: {  	s20 =	sadd.s32 $0x1, s20;
	[sflag:s19] =	ssyncadd.s32 $0xFFFFC000  }
0x161: {  	p0 =	sne.s32 s20, s14;
	_ =	swait.ge [sflag:s19], $0x2000  }
.Ltmp5:
0x162: {  	[sflag:s19] =	ssyncset.done $0x0;
	(pc) =	sbr.rel @p0 .LBB2_1-.Ltmp5, $4  }
0x163: {  	[sflag:s19] =	ssyncadd.s32 $0xFFFFE000  }
0x164: {  	_ =	swait.ge [sflag:s19], $0x2000  }
0x165: {  	[sflag:s19] =	ssyncset.done $0x0  }
0x166: {  	[sflag:s19] =	ssyncadd.s32 $0xFFFFE000  }
0x167: {  	_ =	sfence.sel $0x180000  }
0x168: {  	[bflag:$0x0] =	sbarrier.arrive $0xFFFF  }
0x169: {  	_ =	strace $0x90000047  }
0x16a: {  	s0 =	stileid.u32;
	[bflag:$0x2] =	sbarrier.arrive $0xFFFF  }
0x16b: {  	p0 =	sne.s32 s0, $0x0;
	s0 =	rddreg [dreg:$0x4]  }
0x16c: {  	s0 =	sadd.s32 @!p0 $0x100000, s0  }
0x16d: {  	[sflag:s0] =	ssyncadd.tile.s32 @!p0 $0x1;
	_ =	shalt  }
.Lfunc_end2:
_tile_overlayer_lowered:
.L_overlay_start_2:
0x16e: {  	(tag) =	ssettag $0x2  }
0x16f: {  	s0 =	rddreg [dreg:$0x0];
	s2 =	stileid.u32  }
0x170: {  	s1 =	rddreg [dreg:$0x1];
	p0 =	sne.s32 s2, $0x0  }
0x171: {  	s3 =	rddreg [dreg:$0x2];
	[bflag:$0x3] =	sbarrier.arrive $0xFFFF;
	s2 =	simm.s32 @!p0 $0x1C09  }
0x172: {  	[timem:s3], [sflag:s2] =	dma.local @!p0 [hbm:s0], s1  }
0x173: {  	s0 =	simm.s32 @!p0 $0x9  }
0x174: {  	_ =	swait.ge @!p0 [sflag:s0], s1  }
0x175: {  	s1 =	ssub.s32 @!p0 $0x0, s1;
	[sflag:s0] =	ssyncset.done @!p0 $0x0  }
0x176: {  	[sflag:s0] =	ssyncadd.s32 @!p0 s1  }
0x177: {  	[bflag:$0x3] =	sbarrier.arrive $0xFFFF  }
0x178: {  	_ =	shalt  }

</sc_bundles>
